<compile_context>
chip_gen: v7x
topology: tpu7x:2x2x1
jax: 0.10.2.dev20260603
libtpu: 0.0.44.dev20260713+nightly
codegen_flags: <defaults>
</compile_context>

<pallas_src>
import functools

import jax
import jax.numpy as jnp
import numpy as np
from jax import lax
from jax.experimental import pallas as pl
from jax.experimental.pallas import tpu as pltpu
from jax.experimental.pallas import tpu_sc as plsc

N = 10000
E = 160000
D = 128
C = 64

NW = 32
CH = 128
EPW = 5120
EPAD = NW * EPW
NCH = EPW // CH
NP = 10112
RPT = NP // 16

_SQRT3C_INV = float(1.0 / np.sqrt(3 * C))
_EPS = 1e-5

f32 = jnp.float32


_HI = np.uint32(0xFFFF0000)


def _node_proj_body(x_ref, w_ref, b_ref, t_ref):
    t = jnp.dot(x_ref[...], w_ref[...], preferred_element_type=f32) + b_ref[...]
    a = lax.bitcast_convert_type(t[:, :96], jnp.uint32) & _HI
    b = lax.bitcast_convert_type(t[:, 96:], jnp.uint32) >> 16
    packed = lax.bitcast_convert_type(a | b, f32)
    t_ref[pl.ds(0, N), :] = jnp.concatenate(
        [packed, jnp.zeros((N, 32), f32)], axis=1)


def _node_proj(x, wqkv_t, bqkv):
    return pl.pallas_call(
        _node_proj_body,
        out_shape=jax.ShapeDtypeStruct((NP, 2 * C), f32),
    )(x, wqkv_t, bqkv)


K0 = 40
K1 = 40


def _gather_body(tab_hbm, dst2d_hbm, src2d_hbm, g1_hbm, g2_hbm,
                 idxd_v, idxs_v, rows1_v, rows2_v, semd0, semd1, sems0):
    c = lax.axis_index("c")
    s = lax.axis_index("s")
    nch = jnp.where(c == 0, K0, K1)
    base_rows = jnp.where(c == 0, s * K0, 16 * K0 + s * K1)

    @pl.when(c == 0)
    def _():
        pltpu.sync_copy(dst2d_hbm.at[pl.ds(s * K0, K0)],
                        idxd_v.at[pl.ds(0, K0)])
        pltpu.sync_copy(src2d_hbm.at[pl.ds(s * K0, K0)],
                        idxs_v.at[pl.ds(0, K0)])

    @pl.when(c == 1)
    def _():
        pltpu.sync_copy(dst2d_hbm.at[pl.ds(16 * K0 + s * K1, K1)],
                        idxd_v.at[pl.ds(0, K1)])
        pltpu.sync_copy(src2d_hbm.at[pl.ds(16 * K0 + s * K1, K1)],
                        idxs_v.at[pl.ds(0, K1)])
    def issue_d(j, b, sem):
        pltpu.async_copy(tab_hbm.at[idxd_v.at[j]], rows1_v.at[b], sem)

    def issue_s(j):
        pltpu.async_copy(tab_hbm.at[idxs_v.at[j]], rows2_v, sems0)

    def wait_d(j, b, sem):
        pltpu.make_async_copy(tab_hbm.at[idxd_v.at[j]], rows1_v.at[b],
                              sem).wait()

    def wait_s(j):
        pltpu.make_async_copy(tab_hbm.at[idxs_v.at[j]], rows2_v, sems0).wait()

    issue_d(0, 0, semd0)

    @pl.when(1 < nch)
    def _():
        issue_d(1, 1, semd1)

    issue_s(0)

    def body(p, carry):
        j0 = 2 * p

        wait_d(j0, 0, semd0)
        pltpu.sync_copy(rows1_v.at[0], g1_hbm.at[pl.ds((base_rows + j0) * CH, CH)])

        @pl.when(j0 + 2 < nch)
        def _():
            issue_d(j0 + 2, 0, semd0)

        wait_s(j0)
        pltpu.sync_copy(rows2_v, g2_hbm.at[pl.ds((base_rows + j0) * CH, CH)])

        @pl.when(j0 + 1 < nch)
        def _():
            issue_s(j0 + 1)

        @pl.when(j0 + 1 < nch)
        def _():
            wait_d(j0 + 1, 1, semd1)
            pltpu.sync_copy(rows1_v.at[1],
                            g1_hbm.at[pl.ds((base_rows + j0 + 1) * CH, CH)])

            @pl.when(j0 + 3 < nch)
            def _():
                issue_d(j0 + 3, 1, semd1)

            wait_s(j0 + 1)
            pltpu.sync_copy(rows2_v,
                            g2_hbm.at[pl.ds((base_rows + j0 + 1) * CH, CH)])

            @pl.when(j0 + 2 < nch)
            def _():
                issue_s(j0 + 2)

        return carry

    lax.fori_loop(0, (nch + 1) // 2, body, 0)


def _gather(tab, dst2d, src2d):
    mesh = plsc.VectorSubcoreMesh(core_axis_name="c", subcore_axis_name="s")
    eshape = jax.ShapeDtypeStruct((EPAD, 2 * C), f32)
    return pl.kernel(
        _gather_body,
        out_type=[eshape, eshape],
        mesh=mesh,
        scratch_types=[
            pltpu.VMEM((max(K0, K1), CH), jnp.int32),
            pltpu.VMEM((max(K0, K1), CH), jnp.int32),
            pltpu.VMEM((2, CH, 2 * C), f32),
            pltpu.VMEM((CH, 2 * C), f32),
            pltpu.SemaphoreType.DMA,
            pltpu.SemaphoreType.DMA,
            pltpu.SemaphoreType.DMA,
        ],
    )(tab, dst2d, src2d)


def _unpack_qkv(p):
    pb = lax.bitcast_convert_type(p, jnp.uint32)
    a = lax.bitcast_convert_type(pb & _HI, f32)
    b = lax.bitcast_convert_type(pb << 16, f32)
    q = a[:, :C]
    k = jnp.concatenate([a[:, C:96], b[:, :32]], axis=1)
    v = b[:, 32:96]
    return q, k, v


def _edge_body(g1_ref, g2_ref, ea_ref, wet_ref, wmut_ref, bmu_ref,
               lnag_ref, lnab_ref, wmlt_ref, bml_ref, lnmg_ref, lnmb_ref,
               m_ref):
    q_i, k_i, v_i = _unpack_qkv(g1_ref[...])
    _, k_j, v_j = _unpack_qkv(g2_ref[...])
    e = jnp.dot(ea_ref[...], wet_ref[...], preferred_element_type=f32)

    alpha = jnp.concatenate([q_i * k_i, q_i * k_j, q_i * e], axis=1)
    alpha = alpha * _SQRT3C_INV
    mu = jnp.mean(alpha, axis=1, keepdims=True)
    d = alpha - mu
    var = jnp.mean(d * d, axis=1, keepdims=True)
    ln = d * lax.rsqrt(var + _EPS) * lnag_ref[...] + lnab_ref[...]
    gate = jax.nn.sigmoid(ln)

    wmut = wmut_ref[...]
    u = (jnp.dot(v_i, wmut[:C], preferred_element_type=f32)
         + jnp.dot(v_j, wmut[C:2 * C], preferred_element_type=f32)
         + jnp.dot(e, wmut[2 * C:], preferred_element_type=f32)
         + bmu_ref[...])
    m = jnp.dot(u * gate, wmlt_ref[...], preferred_element_type=f32) + bml_ref[...]
    mmu = jnp.mean(m, axis=1, keepdims=True)
    md = m - mmu
    mvar = jnp.mean(md * md, axis=1, keepdims=True)
    mm = md * lax.rsqrt(mvar + _EPS) * lnmg_ref[...] + lnmb_ref[...]
    m_ref[...] = jnp.concatenate([mm, jnp.zeros_like(mm)], axis=1)


def _edge_math(g1, g2, ea, wet, wmut, bmu, lnag, lnab, wmlt, bml,
               lnmg, lnmb):
    BE = 2000
    grid = E // BE
    full = lambda r, c_: pl.BlockSpec((r, c_), lambda i: (0, 0))
    eblk = pl.BlockSpec((BE, 2 * C), lambda i: (i, 0))
    return pl.pallas_call(
        _edge_body,
        grid=(grid,),
        in_specs=[
            eblk,
            eblk,
            pl.BlockSpec((BE, 16), lambda i: (i, 0)),
            full(16, C),
            full(3 * C, 3 * C),
            full(1, 3 * C),
            full(1, 3 * C),
            full(1, 3 * C),
            full(3 * C, C),
            full(1, C),
            full(1, C),
            full(1, C),
        ],
        out_specs=pl.BlockSpec((BE, 2 * C), lambda i: (i, 0)),
        out_shape=jax.ShapeDtypeStruct((EPAD, 2 * C), f32),
    )(g1, g2, ea, wet, wmut, bmu, lnag, lnab, wmlt, bml, lnmg, lnmb)


def _scatter_body(m_hbm, dst2d_hbm, zeros_hbm, out_hbm, mrows_v, idx_v,
                  semm0, semm1, agg_sh):
    c = lax.axis_index("c")
    s = lax.axis_index("s")
    wid = s * 2 + c
    pltpu.sync_copy(zeros_hbm.at[pl.ds(s * RPT, RPT)],
                    agg_sh.at[pl.ds(s * RPT, RPT)])
    plsc.subcore_barrier()

    base_rows = wid * NCH
    pltpu.sync_copy(dst2d_hbm.at[pl.ds(base_rows, NCH)], idx_v)
    semm = (semm0, semm1)

    def load(j, b):
        pltpu.async_copy(m_hbm.at[pl.ds((base_rows + j) * CH, CH)],
                         mrows_v.at[b], semm[b])

    def drain_scatter(j, b):
        pltpu.make_async_copy(m_hbm.at[pl.ds((base_rows + j) * CH, CH)],
                              mrows_v.at[b], semm[b]).wait()
        pltpu.sync_copy(mrows_v.at[b], agg_sh.at[idx_v.at[j]], add=True)

    load(0, 0)

    def body(p, carry):
        j0 = 2 * p
        load(j0 + 1, 1)
        drain_scatter(j0, 0)

        @pl.when(j0 + 2 < NCH)
        def _():
            load(j0 + 2, 0)

        drain_scatter(j0 + 1, 1)
        return carry

    lax.fori_loop(0, NCH // 2, body, 0)
    plsc.subcore_barrier()
    pltpu.sync_copy(agg_sh.at[pl.ds(s * RPT, RPT)],
                    out_hbm.at[c].at[pl.ds(s * RPT, RPT)])


def _scatter(m, dst2d, zeros_np):
    mesh = plsc.VectorSubcoreMesh(core_axis_name="c", subcore_axis_name="s")
    return pl.kernel(
        _scatter_body,
        out_type=jax.ShapeDtypeStruct((2, NP, 2 * C), f32),
        mesh=mesh,
        scratch_types=[
            pltpu.VMEM((2, CH, 2 * C), f32),
            pltpu.VMEM((NCH, CH), jnp.int32),
            pltpu.SemaphoreType.DMA,
            pltpu.SemaphoreType.DMA,
            pltpu.VMEM_SHARED((NP, 2 * C), f32),
        ],
    )(m, dst2d, zeros_np)


def _out_body(agg_ref, x_ref, wcat_ref, bcat_ref, bng_ref, bnb_ref,
              wskip_ref, bskip_ref, out_ref):
    agg = (agg_ref[0, :N, :C] + agg_ref[1, :N, :C])
    o = jnp.dot(agg, wcat_ref[...], preferred_element_type=f32) + bcat_ref[...]
    mu = jnp.mean(o, axis=0, keepdims=True)
    d = o - mu
    var = jnp.mean(d * d, axis=0, keepdims=True)
    o = d * lax.rsqrt(var + _EPS) * bng_ref[...] + bnb_ref[...]
    o = o * jax.nn.sigmoid(o)
    skip = jnp.dot(x_ref[...], wskip_ref[...], preferred_element_type=f32)
    out_ref[...] = o + skip + bskip_ref[...]


def _node_out(agg2, x, wcat_t, bcat, bng, bnb, wskip_t, bskip):
    return pl.pallas_call(
        _out_body,
        out_shape=jax.ShapeDtypeStruct((N, C), f32),
    )(agg2, x, wcat_t, bcat, bng, bnb, wskip_t, bskip)


def kernel(x, edge_index, edge_attr, Wq, bq, Wk, bk, Wv, bv, We, W_mu, b_mu,
           ln_a_g, ln_a_b, W_ml, b_ml, ln_m_g, ln_m_b, W_cat, b_cat,
           bn_g, bn_b, W_skip, b_skip):
    src = edge_index[0].astype(jnp.int32)
    dst = edge_index[1].astype(jnp.int32)
    pad_e = EPAD - E
    src_pad = jnp.concatenate([src, jnp.full((pad_e,), N, jnp.int32)])
    dst_pad = jnp.concatenate([dst, jnp.full((pad_e,), N, jnp.int32)])
    dst2d = dst_pad.reshape(EPAD // CH, CH)
    src2d = src_pad.reshape(EPAD // CH, CH)

    wqkv_t = jnp.concatenate([Wq, Wk, Wv], axis=0).T
    bqkv = jnp.concatenate([bq, bk, bv]).reshape(1, 3 * C)

    tab = _node_proj(x, wqkv_t, bqkv)
    g1, g2 = _gather(tab, dst2d, src2d)

    m = _edge_math(
        g1, g2, edge_attr, We.T, W_mu.T, b_mu.reshape(1, -1),
        ln_a_g.reshape(1, -1), ln_a_b.reshape(1, -1), W_ml.T,
        b_ml.reshape(1, -1), ln_m_g.reshape(1, -1), ln_m_b.reshape(1, -1))

    zeros_np = jnp.zeros((NP, 2 * C), f32)
    agg2 = _scatter(m, dst2d, zeros_np)

    return _node_out(agg2, x, W_cat.T, b_cat.reshape(1, -1),
                     bn_g.reshape(1, -1), bn_b.reshape(1, -1), W_skip.T,
                     b_skip.reshape(1, -1))

# --- scband reference (transcript-rebuilt; emitter-appended) ---
"""Pipeline reference for scband-matformer-45414984188500 (READ-ONLY COPY).

The authoritative reference and input builder live on the scoring server;
editing this copy changes nothing except your own understanding.
"""

import jax, jax.numpy as jnp
import numpy as np

N = 10000; E = 160000; D = 128; DE = 16; H = 1; C = 64

def _ln(t, g, b, eps=1e-5):
    mu = t.mean(-1, keepdims=True)
    var = ((t - mu) ** 2).mean(-1, keepdims=True)
    return (t - mu) / jnp.sqrt(var + eps) * g + b

def _lin_init(k, fo, fi):
    bound = 1.0 / np.sqrt(fi)
    kw, kb = jax.random.split(k)
    W = jax.random.uniform(kw, (fo, fi), minval=-bound, maxval=bound, dtype=jnp.float32)
    b = jax.random.uniform(kb, (fo,), minval=-bound, maxval=bound, dtype=jnp.float32)
    return W, b

def setup_inputs(seed: int = 0):
    key = jax.random.key(seed)
    ks = [jax.random.fold_in(key, i) for i in range(12)]
    x = jax.random.normal(ks[0], (N, D), dtype=jnp.float32)
    edge_index = jax.random.randint(ks[1], (2, E), 0, N)
    edge_attr = jax.random.normal(ks[2], (E, DE), dtype=jnp.float32)
    Wq, bq = _lin_init(ks[3], H * C, D)
    Wk, bk = _lin_init(ks[4], H * C, D)
    Wv, bv = _lin_init(ks[5], H * C, D)
    We, _ = _lin_init(ks[6], H * C, DE)
    W_mu, b_mu = _lin_init(ks[7], 3 * C, 3 * C)
    W_ml, b_ml = _lin_init(ks[8], C, 3 * C)
    W_cat, b_cat = _lin_init(ks[9], C, H * C)
    W_skip, b_skip = _lin_init(ks[10], C, D)
    return {"x": x, "edge_index": edge_index, "edge_attr": edge_attr,
            "Wq": Wq, "bq": bq, "Wk": Wk, "bk": bk, "Wv": Wv, "bv": bv, "We": We,
            "W_mu": W_mu, "b_mu": b_mu,
            "ln_a_g": jnp.ones(3 * C, jnp.float32), "ln_a_b": jnp.zeros(3 * C, jnp.float32),
            "W_ml": W_ml, "b_ml": b_ml,
            "ln_m_g": jnp.ones(C, jnp.float32), "ln_m_b": jnp.zeros(C, jnp.float32),
            "W_cat": W_cat, "b_cat": b_cat,
            "bn_g": jnp.ones(C, jnp.float32), "bn_b": jnp.zeros(C, jnp.float32),
            "W_skip": W_skip, "b_skip": b_skip}

def _forward(x, edge_attr, Wq, bq, Wk, bk, Wv, bv, We, W_mu, b_mu, ln_a_g, ln_a_b, W_ml, b_ml, ln_m_g, ln_m_b, W_cat, b_cat, bn_g, bn_b, W_skip, b_skip, src, dst):
    q = (x @ Wq.T + bq).reshape(-1, H, C)
    k = (x @ Wk.T + bk).reshape(-1, H, C)
    v = (x @ Wv.T + bv).reshape(-1, H, C)
    e = (edge_attr @ We.T).reshape(-1, H, C)
    q_i = q[dst]; k_i = k[dst]; k_j = k[src]; v_i = v[dst]; v_j = v[src]
    q_cat = jnp.concatenate([q_i, q_i, q_i], axis=-1)
    k_cat = jnp.concatenate([k_i, k_j, e], axis=-1)
    alpha = q_cat * k_cat / np.sqrt(3 * C).astype(np.float32)
    gate = jax.nn.sigmoid(_ln(alpha, ln_a_g, ln_a_b))
    v_cat = jnp.concatenate([v_i, v_j, e], axis=-1)
    m = (v_cat @ W_mu.T + b_mu) * gate
    m = m @ W_ml.T + b_ml
    m = _ln(m, ln_m_g, ln_m_b)
    agg = jnp.zeros((x.shape[0], H, C), dtype=m.dtype).at[dst].add(m)
    out = agg.reshape(-1, H * C) @ W_cat.T + b_cat
    mu = out.mean(0); var = ((out - mu) ** 2).mean(0)
    out = (out - mu) / jnp.sqrt(var + 1e-5) * bn_g + bn_b
    out = jax.nn.silu(out)
    out = out + (x @ W_skip.T + b_skip)
    return out

def reference(x, edge_index, edge_attr, Wq, bq, Wk, bk, Wv, bv, We, W_mu, b_mu, ln_a_g, ln_a_b, W_ml, b_ml, ln_m_g, ln_m_b, W_cat, b_cat, bn_g, bn_b, W_skip, b_skip):
    src = edge_index[0]; dst = edge_index[1]
    return _forward(x, edge_attr, Wq, bq, Wk, bk, Wv, bv, We, W_mu, b_mu, ln_a_g, ln_a_b, W_ml, b_ml, ln_m_g, ln_m_b, W_cat, b_cat, bn_g, bn_b, W_skip, b_skip, src, dst)

if __name__ == "__main__":
    import jax
    _d = setup_inputs()
    print(jax.jit(kernel)(*tuple(_d.values())))

</pallas_src>

<mosaic_0001>
#map = affine_map<(d0, d1) -> (0, 0)>
#map1 = affine_map<(d0, d1) -> (0, 0, 0)>
module attributes {stable_mosaic.version = 14 : i64} {
  func.func @_scatter_body(%arg0: i32, %arg1: i32, %arg2: memref<163840x128xf32, #tpu.memory_space<hbm>>, %arg3: memref<1280x128xi32, #tpu.memory_space<hbm>>, %arg4: memref<10112x128xf32, #tpu.memory_space<hbm>>, %arg5: memref<2x10112x128xf32, #tpu.memory_space<hbm>>, %arg6: memref<2x128x128xf32, #tpu.memory_space<vmem>>, %arg7: memref<40x128xi32, #tpu.memory_space<vmem>>, %arg8: memref<!tpu.dma_semaphore, #tpu.memory_space<semaphore_mem>>, %arg9: memref<!tpu.dma_semaphore, #tpu.memory_space<semaphore_mem>>, %arg10: memref<10112x128xf32, #tpu.memory_space<vmem_shared>>) attributes {dimension_semantics = [#tpu.dimension_semantics<core_parallel>, #tpu.dimension_semantics<subcore_parallel>], iteration_bounds = array<i64: 2, 16>, scalar_prefetch = 0 : i64, scratch_operands = 5 : i64, tpu.core_type = #tpu.core_type<sc_vector_subcore>, window_params = [{transform_indices = #map}, {transform_indices = #map}, {transform_indices = #map}, {transform_indices = #map1}]} {
    %mul3A = arith.constant 2 : i32
    %mul3A_0 = arith.muli %arg1, %mul3A : i32
    %add3A = arith.addi %mul3A_0, %arg0 : i32
    %mul3A_1 = arith.constant 632 : i32
    %mul3A_2 = arith.muli %arg1, %mul3A_1 : i32
    %mul3A_3 = arith.constant 632 : i32
    %mul3A_4 = arith.muli %arg1, %mul3A_3 : i32
    "tpu.region"() ({
      %run_scoped3A = tpu.sem_alloc : memref<!tpu.dma_semaphore, #tpu.memory_space<semaphore_mem>>
      %dma_start3A_33 = arith.constant 0 : i32
      %dma_start3A_34 = tpu.memref_slice %arg10[%mul3A_4, %dma_start3A_33] : memref<10112x128xf32, #tpu.memory_space<vmem_shared>> -> memref<632x128xf32, #tpu.memory_space<vmem_shared>>
      %dma_start3A_35 = arith.constant 0 : i32
      %dma_start3A_36 = tpu.memref_slice %arg4[%mul3A_2, %dma_start3A_35] : memref<10112x128xf32, #tpu.memory_space<hbm>> -> memref<632x128xf32, #tpu.memory_space<hbm>>
      tpu.enqueue_dma source(%dma_start3A_36 : memref<632x128xf32, #tpu.memory_space<hbm>>) target(%dma_start3A_34 : memref<632x128xf32, #tpu.memory_space<vmem_shared>>) target_semaphore(%run_scoped3A : memref<!tpu.dma_semaphore, #tpu.memory_space<semaphore_mem>>)
      %dma_wait3A = arith.constant 0 : i32
      %dma_wait3A_37 = tpu.memref_slice %arg10[%mul3A_4, %dma_wait3A] : memref<10112x128xf32, #tpu.memory_space<vmem_shared>> -> memref<632x128xf32, #tpu.memory_space<vmem_shared>>
      %dma_wait3A_38 = arith.constant 0 : i32
      %dma_wait3A_39 = tpu.memref_slice %arg4[%mul3A_2, %dma_wait3A_38] : memref<10112x128xf32, #tpu.memory_space<hbm>> -> memref<632x128xf32, #tpu.memory_space<hbm>>
      tpu.wait_dma2 semaphore(%run_scoped3A : memref<!tpu.dma_semaphore, #tpu.memory_space<semaphore_mem>>) src(%dma_wait3A_39 : memref<632x128xf32, #tpu.memory_space<hbm>>) dst(%dma_wait3A_37 : memref<632x128xf32, #tpu.memory_space<vmem_shared>>)
      tpu.yield
    }) : () -> ()
    %barrier3A = arith.constant 0 : index
    tpu.barrier barrier_id(%barrier3A)
    %mul3A_5 = arith.constant 40 : i32
    %mul3A_6 = arith.muli %add3A, %mul3A_5 : i32
    "tpu.region"() ({
      %run_scoped3A = tpu.sem_alloc : memref<!tpu.dma_semaphore, #tpu.memory_space<semaphore_mem>>
      %dma_start3A_33 = arith.constant 0 : i32
      %dma_start3A_34 = tpu.memref_slice %arg3[%mul3A_6, %dma_start3A_33] : memref<1280x128xi32, #tpu.memory_space<hbm>> -> memref<40x128xi32, #tpu.memory_space<hbm>>
      %dma_start3A_35 = arith.constant 0 : i32
      %dma_start3A_36 = tpu.memref_slice %arg3[%mul3A_6, %dma_start3A_35] : memref<1280x128xi32, #tpu.memory_space<hbm>> -> memref<40x128xi32, #tpu.memory_space<hbm>>
      tpu.enqueue_dma source(%dma_start3A_36 : memref<40x128xi32, #tpu.memory_space<hbm>>) target(%arg7 : memref<40x128xi32, #tpu.memory_space<vmem>>) target_semaphore(%run_scoped3A : memref<!tpu.dma_semaphore, #tpu.memory_space<semaphore_mem>>)
      %dma_wait3A = arith.constant 0 : i32
      %dma_wait3A_37 = tpu.memref_slice %arg3[%mul3A_6, %dma_wait3A] : memref<1280x128xi32, #tpu.memory_space<hbm>> -> memref<40x128xi32, #tpu.memory_space<hbm>>
      %dma_wait3A_38 = arith.constant 0 : i32
      %dma_wait3A_39 = tpu.memref_slice %arg3[%mul3A_6, %dma_wait3A_38] : memref<1280x128xi32, #tpu.memory_space<hbm>> -> memref<40x128xi32, #tpu.memory_space<hbm>>
      tpu.wait_dma2 semaphore(%run_scoped3A : memref<!tpu.dma_semaphore, #tpu.memory_space<semaphore_mem>>) src(%dma_wait3A_39 : memref<40x128xi32, #tpu.memory_space<hbm>>) dst(%arg7 : memref<40x128xi32, #tpu.memory_space<vmem>>)
      tpu.yield
    }) : () -> ()
    %add3A_7 = arith.constant 0 : i32
    %add3A_8 = arith.addi %mul3A_6, %add3A_7 : i32
    %mul3A_9 = arith.constant 128 : i32
    %mul3A_10 = arith.muli %add3A_8, %mul3A_9 : i32
    %dma_start3A = arith.constant 0 : i32
    %dma_start3A_11 = arith.constant 0 : i32
    %dma_start3A_12 = arith.constant 0 : i32
    %dma_start3A_13 = tpu.memref_slice %arg6[%dma_start3A, %dma_start3A_11, %dma_start3A_12] : memref<2x128x128xf32, #tpu.memory_space<vmem>> -> memref<1x128x128xf32, #tpu.memory_space<vmem>>
    %dma_start3A_14 = tpu.memref_squeeze %dma_start3A_13 : memref<1x128x128xf32, #tpu.memory_space<vmem>> -> memref<128x128xf32, #tpu.memory_space<vmem>>
    %dma_start3A_15 = arith.constant 0 : i32
    %dma_start3A_16 = tpu.memref_slice %arg2[%mul3A_10, %dma_start3A_15] : memref<163840x128xf32, #tpu.memory_space<hbm>> -> memref<128x128xf32, #tpu.memory_space<hbm>>
    %dma_start3A_17 = arith.constant 0 : i32
    %dma_start3A_18 = arith.constant 0 : i32
    %dma_start3A_19 = tpu.memref_slice %arg6[%dma_start3A, %dma_start3A_17, %dma_start3A_18] : memref<2x128x128xf32, #tpu.memory_space<vmem>> -> memref<1x128x128xf32, #tpu.memory_space<vmem>>
    %dma_start3A_20 = tpu.memref_squeeze %dma_start3A_19 : memref<1x128x128xf32, #tpu.memory_space<vmem>> -> memref<128x128xf32, #tpu.memory_space<vmem>>
    %dma_start3A_21 = arith.constant 0 : i32
    %dma_start3A_22 = tpu.memref_slice %arg2[%mul3A_10, %dma_start3A_21] : memref<163840x128xf32, #tpu.memory_space<hbm>> -> memref<128x128xf32, #tpu.memory_space<hbm>>
    tpu.enqueue_dma source(%dma_start3A_22 : memref<128x128xf32, #tpu.memory_space<hbm>>) target(%dma_start3A_20 : memref<128x128xf32, #tpu.memory_space<vmem>>) target_semaphore(%arg8 : memref<!tpu.dma_semaphore, #tpu.memory_space<semaphore_mem>>)
    %scan3A = arith.constant 0 : i32
    %scan3A_23 = arith.constant 0 : i32
    %scan3A_24 = arith.constant 20 : i32
    %scan3A_25 = arith.addi %scan3A_23, %scan3A_24 : i32
    %scan3A_26 = arith.constant 1 : i32
    scf.for %scan3A_33 = %scan3A_23 to %scan3A_25 step %scan3A_26  : i32 {
      %mul3A_34 = arith.constant 2 : i32
      %mul3A_35 = arith.muli %mul3A_34, %scan3A_33 : i32
      %add3A_36 = arith.constant 1 : i32
      %add3A_37 = arith.addi %mul3A_35, %add3A_36 : i32
      %add3A_38 = arith.addi %mul3A_6, %add3A_37 : i32
      %mul3A_39 = arith.constant 128 : i32
      %mul3A_40 = arith.muli %add3A_38, %mul3A_39 : i32
      %dma_start3A_41 = arith.constant 1 : i32
      %dma_start3A_42 = arith.constant 0 : i32
      %dma_start3A_43 = arith.constant 0 : i32
      %dma_start3A_44 = tpu.memref_slice %arg6[%dma_start3A_41, %dma_start3A_42, %dma_start3A_43] : memref<2x128x128xf32, #tpu.memory_space<vmem>> -> memref<1x128x128xf32, #tpu.memory_space<vmem>>
      %dma_start3A_45 = tpu.memref_squeeze %dma_start3A_44 : memref<1x128x128xf32, #tpu.memory_space<vmem>> -> memref<128x128xf32, #tpu.memory_space<vmem>>
      %dma_start3A_46 = arith.constant 0 : i32
      %dma_start3A_47 = tpu.memref_slice %arg2[%mul3A_40, %dma_start3A_46] : memref<163840x128xf32, #tpu.memory_space<hbm>> -> memref<128x128xf32, #tpu.memory_space<hbm>>
      %dma_start3A_48 = arith.constant 0 : i32
      %dma_start3A_49 = arith.constant 0 : i32
      %dma_start3A_50 = tpu.memref_slice %arg6[%dma_start3A_41, %dma_start3A_48, %dma_start3A_49] : memref<2x128x128xf32, #tpu.memory_space<vmem>> -> memref<1x128x128xf32, #tpu.memory_space<vmem>>
      %dma_start3A_51 = tpu.memref_squeeze %dma_start3A_50 : memref<1x128x128xf32, #tpu.memory_space<vmem>> -> memref<128x128xf32, #tpu.memory_space<vmem>>
      %dma_start3A_52 = arith.constant 0 : i32
      %dma_start3A_53 = tpu.memref_slice %arg2[%mul3A_40, %dma_start3A_52] : memref<163840x128xf32, #tpu.memory_space<hbm>> -> memref<128x128xf32, #tpu.memory_space<hbm>>
      tpu.enqueue_dma source(%dma_start3A_53 : memref<128x128xf32, #tpu.memory_space<hbm>>) target(%dma_start3A_51 : memref<128x128xf32, #tpu.memory_space<vmem>>) target_semaphore(%arg9 : memref<!tpu.dma_semaphore, #tpu.memory_space<semaphore_mem>>)
      %add3A_54 = arith.addi %mul3A_6, %mul3A_35 : i32
      %mul3A_55 = arith.constant 128 : i32
      %mul3A_56 = arith.muli %add3A_54, %mul3A_55 : i32
      %dma_wait3A = arith.constant 0 : i32
      %dma_wait3A_57 = arith.constant 0 : i32
      %dma_wait3A_58 = arith.constant 0 : i32
      %dma_wait3A_59 = tpu.memref_slice %arg6[%dma_wait3A, %dma_wait3A_57, %dma_wait3A_58] : memref<2x128x128xf32, #tpu.memory_space<vmem>> -> memref<1x128x128xf32, #tpu.memory_space<vmem>>
      %dma_wait3A_60 = tpu.memref_squeeze %dma_wait3A_59 : memref<1x128x128xf32, #tpu.memory_space<vmem>> -> memref<128x128xf32, #tpu.memory_space<vmem>>
      %dma_wait3A_61 = arith.constant 0 : i32
      %dma_wait3A_62 = tpu.memref_slice %arg2[%mul3A_56, %dma_wait3A_61] : memref<163840x128xf32, #tpu.memory_space<hbm>> -> memref<128x128xf32, #tpu.memory_space<hbm>>
      %dma_wait3A_63 = arith.constant 0 : i32
      %dma_wait3A_64 = arith.constant 0 : i32
      %dma_wait3A_65 = tpu.memref_slice %arg6[%dma_wait3A, %dma_wait3A_63, %dma_wait3A_64] : memref<2x128x128xf32, #tpu.memory_space<vmem>> -> memref<1x128x128xf32, #tpu.memory_space<vmem>>
      %dma_wait3A_66 = tpu.memref_squeeze %dma_wait3A_65 : memref<1x128x128xf32, #tpu.memory_space<vmem>> -> memref<128x128xf32, #tpu.memory_space<vmem>>
      %dma_wait3A_67 = arith.constant 0 : i32
      %dma_wait3A_68 = tpu.memref_slice %arg2[%mul3A_56, %dma_wait3A_67] : memref<163840x128xf32, #tpu.memory_space<hbm>> -> memref<128x128xf32, #tpu.memory_space<hbm>>
      tpu.wait_dma2 semaphore(%arg8 : memref<!tpu.dma_semaphore, #tpu.memory_space<semaphore_mem>>) src(%dma_wait3A_68 : memref<128x128xf32, #tpu.memory_space<hbm>>) dst(%dma_wait3A_66 : memref<128x128xf32, #tpu.memory_space<vmem>>)
      %run_scoped3A = arith.constant 0 : i32
      "tpu.region"() ({
        %run_scoped3A_92 = tpu.sem_alloc : memref<!tpu.dma_semaphore, #tpu.memory_space<semaphore_mem>>
        %dma_start3A_93 = arith.constant 0 : i32
        %dma_start3A_94 = arith.constant 0 : i32
        %dma_start3A_95 = tpu.memref_slice %arg6[%run_scoped3A, %dma_start3A_93, %dma_start3A_94] : memref<2x128x128xf32, #tpu.memory_space<vmem>> -> memref<1x128x128xf32, #tpu.memory_space<vmem>>
        %dma_start3A_96 = tpu.memref_squeeze %dma_start3A_95 : memref<1x128x128xf32, #tpu.memory_space<vmem>> -> memref<128x128xf32, #tpu.memory_space<vmem>>
        %dma_start3A_97 = arith.constant 0 : i32
        %dma_start3A_98 = tpu.memref_slice %arg7[%mul3A_35, %dma_start3A_97] : memref<40x128xi32, #tpu.memory_space<vmem>> -> memref<1x128xi32, #tpu.memory_space<vmem>>
        %dma_start3A_99 = tpu.memref_squeeze %dma_start3A_98 : memref<1x128xi32, #tpu.memory_space<vmem>> -> memref<128xi32, #tpu.memory_space<vmem>>
        %dma_start3A_100 = arith.constant 0 : i32
        %dma_start3A_101 = arith.constant 0 : i32
        %dma_start3A_102 = tpu.memref_slice %arg10[%dma_start3A_100, %dma_start3A_101] : memref<10112x128xf32, #tpu.memory_space<vmem_shared>> -> memref<10112x128xf32, #tpu.memory_space<vmem_shared>>
        tpu.enqueue_indirect_dma source(%dma_start3A_96 : memref<128x128xf32, #tpu.memory_space<vmem>>) target(%dma_start3A_102 : memref<10112x128xf32, #tpu.memory_space<vmem_shared>>) offsets(%dma_start3A_99 : memref<128xi32, #tpu.memory_space<vmem>>) semaphore(%run_scoped3A_92 : memref<!tpu.dma_semaphore, #tpu.memory_space<semaphore_mem>>) {add = true}
        %dma_wait3A_103 = arith.constant 0 : i32
        %dma_wait3A_104 = arith.constant 0 : i32
        %dma_wait3A_105 = tpu.memref_slice %arg6[%run_scoped3A, %dma_wait3A_103, %dma_wait3A_104] : memref<2x128x128xf32, #tpu.memory_space<vmem>> -> memref<1x128x128xf32, #tpu.memory_space<vmem>>
        %dma_wait3A_106 = tpu.memref_squeeze %dma_wait3A_105 : memref<1x128x128xf32, #tpu.memory_space<vmem>> -> memref<128x128xf32, #tpu.memory_space<vmem>>
        %dma_wait3A_107 = arith.constant 0 : i32
        %dma_wait3A_108 = tpu.memref_slice %arg7[%mul3A_35, %dma_wait3A_107] : memref<40x128xi32, #tpu.memory_space<vmem>> -> memref<1x128xi32, #tpu.memory_space<vmem>>
        %dma_wait3A_109 = tpu.memref_squeeze %dma_wait3A_108 : memref<1x128xi32, #tpu.memory_space<vmem>> -> memref<128xi32, #tpu.memory_space<vmem>>
        %dma_wait3A_110 = arith.constant 0 : i32
        %dma_wait3A_111 = arith.constant 0 : i32
        %dma_wait3A_112 = tpu.memref_slice %arg10[%dma_wait3A_110, %dma_wait3A_111] : memref<10112x128xf32, #tpu.memory_space<vmem_shared>> -> memref<10112x128xf32, #tpu.memory_space<vmem_shared>>
        tpu.wait_indirect_dma semaphore(%run_scoped3A_92 : memref<!tpu.dma_semaphore, #tpu.memory_space<semaphore_mem>>) src(%dma_wait3A_106 : memref<128x128xf32, #tpu.memory_space<vmem>>) dst(%dma_wait3A_112 : memref<10112x128xf32, #tpu.memory_space<vmem_shared>>)
        tpu.yield
      }) : () -> ()
      %add3A_69 = arith.constant 2 : i32
      %add3A_70 = arith.addi %mul3A_35, %add3A_69 : i32
      %lt3A = arith.constant 40 : i32
      %lt3A_71 = arith.cmpi slt, %add3A_70, %lt3A : i32
      %convert_element_type3A = arith.extui %lt3A_71 : i1 to i32
      %cond3A = arith.constant 0 : i32
      %cond3A_72 = arith.cmpi ne, %convert_element_type3A, %cond3A : i32
      scf.if %cond3A_72 {
        %add3A_92 = arith.constant 2 : i32
        %add3A_93 = arith.addi %mul3A_35, %add3A_92 : i32
        %add3A_94 = arith.addi %mul3A_6, %add3A_93 : i32
        %mul3A_95 = arith.constant 128 : i32
        %mul3A_96 = arith.muli %add3A_94, %mul3A_95 : i32
        %dma_start3A_97 = arith.constant 0 : i32
        %dma_start3A_98 = arith.constant 0 : i32
        %dma_start3A_99 = arith.constant 0 : i32
        %dma_start3A_100 = tpu.memref_slice %arg6[%dma_start3A_97, %dma_start3A_98, %dma_start3A_99] : memref<2x128x128xf32, #tpu.memory_space<vmem>> -> memref<1x128x128xf32, #tpu.memory_space<vmem>>
        %dma_start3A_101 = tpu.memref_squeeze %dma_start3A_100 : memref<1x128x128xf32, #tpu.memory_space<vmem>> -> memref<128x128xf32, #tpu.memory_space<vmem>>
        %dma_start3A_102 = arith.constant 0 : i32
        %dma_start3A_103 = tpu.memref_slice %arg2[%mul3A_96, %dma_start3A_102] : memref<163840x128xf32, #tpu.memory_space<hbm>> -> memref<128x128xf32, #tpu.memory_space<hbm>>
        %dma_start3A_104 = arith.constant 0 : i32
        %dma_start3A_105 = arith.constant 0 : i32
        %dma_start3A_106 = tpu.memref_slice %arg6[%dma_start3A_97, %dma_start3A_104, %dma_start3A_105] : memref<2x128x128xf32, #tpu.memory_space<vmem>> -> memref<1x128x128xf32, #tpu.memory_space<vmem>>
        %dma_start3A_107 = tpu.memref_squeeze %dma_start3A_106 : memref<1x128x128xf32, #tpu.memory_space<vmem>> -> memref<128x128xf32, #tpu.memory_space<vmem>>
        %dma_start3A_108 = arith.constant 0 : i32
        %dma_start3A_109 = tpu.memref_slice %arg2[%mul3A_96, %dma_start3A_108] : memref<163840x128xf32, #tpu.memory_space<hbm>> -> memref<128x128xf32, #tpu.memory_space<hbm>>
        tpu.enqueue_dma source(%dma_start3A_109 : memref<128x128xf32, #tpu.memory_space<hbm>>) target(%dma_start3A_107 : memref<128x128xf32, #tpu.memory_space<vmem>>) target_semaphore(%arg8 : memref<!tpu.dma_semaphore, #tpu.memory_space<semaphore_mem>>)
      } else {
      }
      %add3A_73 = arith.constant 1 : i32
      %add3A_74 = arith.addi %mul3A_35, %add3A_73 : i32
      %add3A_75 = arith.addi %mul3A_6, %add3A_74 : i32
      %mul3A_76 = arith.constant 128 : i32
      %mul3A_77 = arith.muli %add3A_75, %mul3A_76 : i32
      %dma_wait3A_78 = arith.constant 1 : i32
      %dma_wait3A_79 = arith.constant 0 : i32
      %dma_wait3A_80 = arith.constant 0 : i32
      %dma_wait3A_81 = tpu.memref_slice %arg6[%dma_wait3A_78, %dma_wait3A_79, %dma_wait3A_80] : memref<2x128x128xf32, #tpu.memory_space<vmem>> -> memref<1x128x128xf32, #tpu.memory_space<vmem>>
      %dma_wait3A_82 = tpu.memref_squeeze %dma_wait3A_81 : memref<1x128x128xf32, #tpu.memory_space<vmem>> -> memref<128x128xf32, #tpu.memory_space<vmem>>
      %dma_wait3A_83 = arith.constant 0 : i32
      %dma_wait3A_84 = tpu.memref_slice %arg2[%mul3A_77, %dma_wait3A_83] : memref<163840x128xf32, #tpu.memory_space<hbm>> -> memref<128x128xf32, #tpu.memory_space<hbm>>
      %dma_wait3A_85 = arith.constant 0 : i32
      %dma_wait3A_86 = arith.constant 0 : i32
      %dma_wait3A_87 = tpu.memref_slice %arg6[%dma_wait3A_78, %dma_wait3A_85, %dma_wait3A_86] : memref<2x128x128xf32, #tpu.memory_space<vmem>> -> memref<1x128x128xf32, #tpu.memory_space<vmem>>
      %dma_wait3A_88 = tpu.memref_squeeze %dma_wait3A_87 : memref<1x128x128xf32, #tpu.memory_space<vmem>> -> memref<128x128xf32, #tpu.memory_space<vmem>>
      %dma_wait3A_89 = arith.constant 0 : i32
      %dma_wait3A_90 = tpu.memref_slice %arg2[%mul3A_77, %dma_wait3A_89] : memref<163840x128xf32, #tpu.memory_space<hbm>> -> memref<128x128xf32, #tpu.memory_space<hbm>>
      tpu.wait_dma2 semaphore(%arg9 : memref<!tpu.dma_semaphore, #tpu.memory_space<semaphore_mem>>) src(%dma_wait3A_90 : memref<128x128xf32, #tpu.memory_space<hbm>>) dst(%dma_wait3A_88 : memref<128x128xf32, #tpu.memory_space<vmem>>)
      %run_scoped3A_91 = arith.constant 1 : i32
      "tpu.region"() ({
        %run_scoped3A_92 = tpu.sem_alloc : memref<!tpu.dma_semaphore, #tpu.memory_space<semaphore_mem>>
        %dma_start3A_93 = arith.constant 0 : i32
        %dma_start3A_94 = arith.constant 0 : i32
        %dma_start3A_95 = tpu.memref_slice %arg6[%run_scoped3A_91, %dma_start3A_93, %dma_start3A_94] : memref<2x128x128xf32, #tpu.memory_space<vmem>> -> memref<1x128x128xf32, #tpu.memory_space<vmem>>
        %dma_start3A_96 = tpu.memref_squeeze %dma_start3A_95 : memref<1x128x128xf32, #tpu.memory_space<vmem>> -> memref<128x128xf32, #tpu.memory_space<vmem>>
        %dma_start3A_97 = arith.constant 0 : i32
        %dma_start3A_98 = tpu.memref_slice %arg7[%add3A_74, %dma_start3A_97] : memref<40x128xi32, #tpu.memory_space<vmem>> -> memref<1x128xi32, #tpu.memory_space<vmem>>
        %dma_start3A_99 = tpu.memref_squeeze %dma_start3A_98 : memref<1x128xi32, #tpu.memory_space<vmem>> -> memref<128xi32, #tpu.memory_space<vmem>>
        %dma_start3A_100 = arith.constant 0 : i32
        %dma_start3A_101 = arith.constant 0 : i32
        %dma_start3A_102 = tpu.memref_slice %arg10[%dma_start3A_100, %dma_start3A_101] : memref<10112x128xf32, #tpu.memory_space<vmem_shared>> -> memref<10112x128xf32, #tpu.memory_space<vmem_shared>>
        tpu.enqueue_indirect_dma source(%dma_start3A_96 : memref<128x128xf32, #tpu.memory_space<vmem>>) target(%dma_start3A_102 : memref<10112x128xf32, #tpu.memory_space<vmem_shared>>) offsets(%dma_start3A_99 : memref<128xi32, #tpu.memory_space<vmem>>) semaphore(%run_scoped3A_92 : memref<!tpu.dma_semaphore, #tpu.memory_space<semaphore_mem>>) {add = true}
        %dma_wait3A_103 = arith.constant 0 : i32
        %dma_wait3A_104 = arith.constant 0 : i32
        %dma_wait3A_105 = tpu.memref_slice %arg6[%run_scoped3A_91, %dma_wait3A_103, %dma_wait3A_104] : memref<2x128x128xf32, #tpu.memory_space<vmem>> -> memref<1x128x128xf32, #tpu.memory_space<vmem>>
        %dma_wait3A_106 = tpu.memref_squeeze %dma_wait3A_105 : memref<1x128x128xf32, #tpu.memory_space<vmem>> -> memref<128x128xf32, #tpu.memory_space<vmem>>
        %dma_wait3A_107 = arith.constant 0 : i32
        %dma_wait3A_108 = tpu.memref_slice %arg7[%add3A_74, %dma_wait3A_107] : memref<40x128xi32, #tpu.memory_space<vmem>> -> memref<1x128xi32, #tpu.memory_space<vmem>>
        %dma_wait3A_109 = tpu.memref_squeeze %dma_wait3A_108 : memref<1x128xi32, #tpu.memory_space<vmem>> -> memref<128xi32, #tpu.memory_space<vmem>>
        %dma_wait3A_110 = arith.constant 0 : i32
        %dma_wait3A_111 = arith.constant 0 : i32
        %dma_wait3A_112 = tpu.memref_slice %arg10[%dma_wait3A_110, %dma_wait3A_111] : memref<10112x128xf32, #tpu.memory_space<vmem_shared>> -> memref<10112x128xf32, #tpu.memory_space<vmem_shared>>
        tpu.wait_indirect_dma semaphore(%run_scoped3A_92 : memref<!tpu.dma_semaphore, #tpu.memory_space<semaphore_mem>>) src(%dma_wait3A_106 : memref<128x128xf32, #tpu.memory_space<vmem>>) dst(%dma_wait3A_112 : memref<10112x128xf32, #tpu.memory_space<vmem_shared>>)
        tpu.yield
      }) : () -> ()
    }
    %scan3A_27 = arith.constant 20 : i32
    %barrier3A_28 = arith.constant 0 : index
    tpu.barrier barrier_id(%barrier3A_28)
    %mul3A_29 = arith.constant 632 : i32
    %mul3A_30 = arith.muli %arg1, %mul3A_29 : i32
    %mul3A_31 = arith.constant 632 : i32
    %mul3A_32 = arith.muli %arg1, %mul3A_31 : i32
    "tpu.region"() ({
      %run_scoped3A = tpu.sem_alloc : memref<!tpu.dma_semaphore, #tpu.memory_space<semaphore_mem>>
      %dma_start3A_33 = arith.constant 0 : i32
      %dma_start3A_34 = arith.constant 0 : i32
      %dma_start3A_35 = tpu.memref_slice %arg5[%arg0, %dma_start3A_33, %dma_start3A_34] : memref<2x10112x128xf32, #tpu.memory_space<hbm>> -> memref<1x10112x128xf32, #tpu.memory_space<hbm>>
      %dma_start3A_36 = tpu.memref_squeeze %dma_start3A_35 : memref<1x10112x128xf32, #tpu.memory_space<hbm>> -> memref<10112x128xf32, #tpu.memory_space<hbm>>
      %dma_start3A_37 = arith.constant 0 : i32
      %dma_start3A_38 = tpu.memref_slice %dma_start3A_36[%mul3A_32, %dma_start3A_37] : memref<10112x128xf32, #tpu.memory_space<hbm>> -> memref<632x128xf32, #tpu.memory_space<hbm>>
      %dma_start3A_39 = arith.constant 0 : i32
      %dma_start3A_40 = tpu.memref_slice %arg10[%mul3A_30, %dma_start3A_39] : memref<10112x128xf32, #tpu.memory_space<vmem_shared>> -> memref<632x128xf32, #tpu.memory_space<vmem_shared>>
      tpu.enqueue_dma source(%dma_start3A_40 : memref<632x128xf32, #tpu.memory_space<vmem_shared>>) target(%dma_start3A_38 : memref<632x128xf32, #tpu.memory_space<hbm>>) target_semaphore(%run_scoped3A : memref<!tpu.dma_semaphore, #tpu.memory_space<semaphore_mem>>)
      %dma_wait3A = arith.constant 0 : i32
      %dma_wait3A_41 = arith.constant 0 : i32
      %dma_wait3A_42 = tpu.memref_slice %arg5[%arg0, %dma_wait3A, %dma_wait3A_41] : memref<2x10112x128xf32, #tpu.memory_space<hbm>> -> memref<1x10112x128xf32, #tpu.memory_space<hbm>>
      %dma_wait3A_43 = tpu.memref_squeeze %dma_wait3A_42 : memref<1x10112x128xf32, #tpu.memory_space<hbm>> -> memref<10112x128xf32, #tpu.memory_space<hbm>>
      %dma_wait3A_44 = arith.constant 0 : i32
      %dma_wait3A_45 = tpu.memref_slice %dma_wait3A_43[%mul3A_32, %dma_wait3A_44] : memref<10112x128xf32, #tpu.memory_space<hbm>> -> memref<632x128xf32, #tpu.memory_space<hbm>>
      %dma_wait3A_46 = arith.constant 0 : i32
      %dma_wait3A_47 = tpu.memref_slice %arg10[%mul3A_30, %dma_wait3A_46] : memref<10112x128xf32, #tpu.memory_space<vmem_shared>> -> memref<632x128xf32, #tpu.memory_space<vmem_shared>>
      tpu.wait_dma2 semaphore(%run_scoped3A : memref<!tpu.dma_semaphore, #tpu.memory_space<semaphore_mem>>) src(%dma_wait3A_47 : memref<632x128xf32, #tpu.memory_space<vmem_shared>>) dst(%dma_wait3A_45 : memref<632x128xf32, #tpu.memory_space<hbm>>)
      tpu.yield
    }) : () -> ()
    return
  }
}

#map = affine_map<(d0, d1) -> (0, 0)>
module attributes {stable_mosaic.version = 14 : i64} {
  func.func @_gather_body(%arg0: i32, %arg1: i32, %arg2: memref<10112x128xf32, #tpu.memory_space<hbm>>, %arg3: memref<1280x128xi32, #tpu.memory_space<hbm>>, %arg4: memref<1280x128xi32, #tpu.memory_space<hbm>>, %arg5: memref<163840x128xf32, #tpu.memory_space<hbm>>, %arg6: memref<163840x128xf32, #tpu.memory_space<hbm>>, %arg7: memref<40x128xi32, #tpu.memory_space<vmem>>, %arg8: memref<40x128xi32, #tpu.memory_space<vmem>>, %arg9: memref<2x128x128xf32, #tpu.memory_space<vmem>>, %arg10: memref<128x128xf32, #tpu.memory_space<vmem>>, %arg11: memref<!tpu.dma_semaphore, #tpu.memory_space<semaphore_mem>>, %arg12: memref<!tpu.dma_semaphore, #tpu.memory_space<semaphore_mem>>, %arg13: memref<!tpu.dma_semaphore, #tpu.memory_space<semaphore_mem>>) attributes {dimension_semantics = [#tpu.dimension_semantics<core_parallel>, #tpu.dimension_semantics<subcore_parallel>], iteration_bounds = array<i64: 2, 16>, scalar_prefetch = 0 : i64, scratch_operands = 7 : i64, tpu.core_type = #tpu.core_type<sc_vector_subcore>, window_params = [{transform_indices = #map}, {transform_indices = #map}, {transform_indices = #map}, {transform_indices = #map}, {transform_indices = #map}]} {
    %eq3A = arith.constant 0 : i32
    %eq3A_0 = arith.cmpi eq, %arg0, %eq3A : i32
    %jit3A = arith.constant 40 : i32
    %jit3A_1 = arith.constant 40 : i32
    %select_n3A = arith.select %eq3A_0, %jit3A, %jit3A_1 : i32
    %eq3A_2 = arith.constant 0 : i32
    %eq3A_3 = arith.cmpi eq, %arg0, %eq3A_2 : i32
    %mul3A = arith.constant 40 : i32
    %mul3A_4 = arith.muli %arg1, %mul3A : i32
    %mul3A_5 = arith.constant 40 : i32
    %mul3A_6 = arith.muli %arg1, %mul3A_5 : i32
    %add3A = arith.constant 640 : i32
    %add3A_7 = arith.addi %add3A, %mul3A_6 : i32
    %select_n3A_8 = arith.select %eq3A_3, %mul3A_4, %add3A_7 : i32
    %eq3A_9 = arith.constant 0 : i32
    %eq3A_10 = arith.cmpi eq, %arg0, %eq3A_9 : i32
    %convert_element_type3A = arith.extui %eq3A_10 : i1 to i32
    %cond3A = arith.constant 0 : i32
    %cond3A_11 = arith.cmpi ne, %convert_element_type3A, %cond3A : i32
    scf.if %cond3A_11 {
      %mul3A_68 = arith.constant 40 : i32
      %mul3A_69 = arith.muli %arg1, %mul3A_68 : i32
      "tpu.region"() ({
        %run_scoped3A = tpu.sem_alloc : memref<!tpu.dma_semaphore, #tpu.memory_space<semaphore_mem>>
        %dma_start3A_72 = arith.constant 0 : i32
        %dma_start3A_73 = arith.constant 0 : i32
        %dma_start3A_74 = tpu.memref_slice %arg7[%dma_start3A_72, %dma_start3A_73] : memref<40x128xi32, #tpu.memory_space<vmem>> -> memref<40x128xi32, #tpu.memory_space<vmem>>
        %dma_start3A_75 = arith.constant 0 : i32
        %dma_start3A_76 = tpu.memref_slice %arg3[%mul3A_69, %dma_start3A_75] : memref<1280x128xi32, #tpu.memory_space<hbm>> -> memref<40x128xi32, #tpu.memory_space<hbm>>
        %dma_start3A_77 = arith.constant 0 : i32
        %dma_start3A_78 = arith.constant 0 : i32
        %dma_start3A_79 = tpu.memref_slice %arg7[%dma_start3A_77, %dma_start3A_78] : memref<40x128xi32, #tpu.memory_space<vmem>> -> memref<40x128xi32, #tpu.memory_space<vmem>>
        %dma_start3A_80 = arith.constant 0 : i32
        %dma_start3A_81 = tpu.memref_slice %arg3[%mul3A_69, %dma_start3A_80] : memref<1280x128xi32, #tpu.memory_space<hbm>> -> memref<40x128xi32, #tpu.memory_space<hbm>>
        tpu.enqueue_dma source(%dma_start3A_81 : memref<40x128xi32, #tpu.memory_space<hbm>>) target(%dma_start3A_79 : memref<40x128xi32, #tpu.memory_space<vmem>>) target_semaphore(%run_scoped3A : memref<!tpu.dma_semaphore, #tpu.memory_space<semaphore_mem>>)
        %dma_wait3A = arith.constant 0 : i32
        %dma_wait3A_82 = arith.constant 0 : i32
        %dma_wait3A_83 = tpu.memref_slice %arg7[%dma_wait3A, %dma_wait3A_82] : memref<40x128xi32, #tpu.memory_space<vmem>> -> memref<40x128xi32, #tpu.memory_space<vmem>>
        %dma_wait3A_84 = arith.constant 0 : i32
        %dma_wait3A_85 = tpu.memref_slice %arg3[%mul3A_69, %dma_wait3A_84] : memref<1280x128xi32, #tpu.memory_space<hbm>> -> memref<40x128xi32, #tpu.memory_space<hbm>>
        %dma_wait3A_86 = arith.constant 0 : i32
        %dma_wait3A_87 = arith.constant 0 : i32
        %dma_wait3A_88 = tpu.memref_slice %arg7[%dma_wait3A_86, %dma_wait3A_87] : memref<40x128xi32, #tpu.memory_space<vmem>> -> memref<40x128xi32, #tpu.memory_space<vmem>>
        %dma_wait3A_89 = arith.constant 0 : i32
        %dma_wait3A_90 = tpu.memref_slice %arg3[%mul3A_69, %dma_wait3A_89] : memref<1280x128xi32, #tpu.memory_space<hbm>> -> memref<40x128xi32, #tpu.memory_space<hbm>>
        tpu.wait_dma2 semaphore(%run_scoped3A : memref<!tpu.dma_semaphore, #tpu.memory_space<semaphore_mem>>) src(%dma_wait3A_90 : memref<40x128xi32, #tpu.memory_space<hbm>>) dst(%dma_wait3A_88 : memref<40x128xi32, #tpu.memory_space<vmem>>)
        tpu.yield
      }) : () -> ()
      %mul3A_70 = arith.constant 40 : i32
      %mul3A_71 = arith.muli %arg1, %mul3A_70 : i32
      "tpu.region"() ({
        %run_scoped3A = tpu.sem_alloc : memref<!tpu.dma_semaphore, #tpu.memory_space<semaphore_mem>>
        %dma_start3A_72 = arith.constant 0 : i32
        %dma_start3A_73 = arith.constant 0 : i32
        %dma_start3A_74 = tpu.memref_slice %arg8[%dma_start3A_72, %dma_start3A_73] : memref<40x128xi32, #tpu.memory_space<vmem>> -> memref<40x128xi32, #tpu.memory_space<vmem>>
        %dma_start3A_75 = arith.constant 0 : i32
        %dma_start3A_76 = tpu.memref_slice %arg4[%mul3A_71, %dma_start3A_75] : memref<1280x128xi32, #tpu.memory_space<hbm>> -> memref<40x128xi32, #tpu.memory_space<hbm>>
        %dma_start3A_77 = arith.constant 0 : i32
        %dma_start3A_78 = arith.constant 0 : i32
        %dma_start3A_79 = tpu.memref_slice %arg8[%dma_start3A_77, %dma_start3A_78] : memref<40x128xi32, #tpu.memory_space<vmem>> -> memref<40x128xi32, #tpu.memory_space<vmem>>
        %dma_start3A_80 = arith.constant 0 : i32
        %dma_start3A_81 = tpu.memref_slice %arg4[%mul3A_71, %dma_start3A_80] : memref<1280x128xi32, #tpu.memory_space<hbm>> -> memref<40x128xi32, #tpu.memory_space<hbm>>
        tpu.enqueue_dma source(%dma_start3A_81 : memref<40x128xi32, #tpu.memory_space<hbm>>) target(%dma_start3A_79 : memref<40x128xi32, #tpu.memory_space<vmem>>) target_semaphore(%run_scoped3A : memref<!tpu.dma_semaphore, #tpu.memory_space<semaphore_mem>>)
        %dma_wait3A = arith.constant 0 : i32
        %dma_wait3A_82 = arith.constant 0 : i32
        %dma_wait3A_83 = tpu.memref_slice %arg8[%dma_wait3A, %dma_wait3A_82] : memref<40x128xi32, #tpu.memory_space<vmem>> -> memref<40x128xi32, #tpu.memory_space<vmem>>
        %dma_wait3A_84 = arith.constant 0 : i32
        %dma_wait3A_85 = tpu.memref_slice %arg4[%mul3A_71, %dma_wait3A_84] : memref<1280x128xi32, #tpu.memory_space<hbm>> -> memref<40x128xi32, #tpu.memory_space<hbm>>
        %dma_wait3A_86 = arith.constant 0 : i32
        %dma_wait3A_87 = arith.constant 0 : i32
        %dma_wait3A_88 = tpu.memref_slice %arg8[%dma_wait3A_86, %dma_wait3A_87] : memref<40x128xi32, #tpu.memory_space<vmem>> -> memref<40x128xi32, #tpu.memory_space<vmem>>
        %dma_wait3A_89 = arith.constant 0 : i32
        %dma_wait3A_90 = tpu.memref_slice %arg4[%mul3A_71, %dma_wait3A_89] : memref<1280x128xi32, #tpu.memory_space<hbm>> -> memref<40x128xi32, #tpu.memory_space<hbm>>
        tpu.wait_dma2 semaphore(%run_scoped3A : memref<!tpu.dma_semaphore, #tpu.memory_space<semaphore_mem>>) src(%dma_wait3A_90 : memref<40x128xi32, #tpu.memory_space<hbm>>) dst(%dma_wait3A_88 : memref<40x128xi32, #tpu.memory_space<vmem>>)
        tpu.yield
      }) : () -> ()
    } else {
    }
    %eq3A_12 = arith.constant 1 : i32
    %eq3A_13 = arith.cmpi eq, %arg0, %eq3A_12 : i32
    %convert_element_type3A_14 = arith.extui %eq3A_13 : i1 to i32
    %cond3A_15 = arith.constant 0 : i32
    %cond3A_16 = arith.cmpi ne, %convert_element_type3A_14, %cond3A_15 : i32
    scf.if %cond3A_16 {
      %mul3A_68 = arith.constant 40 : i32
      %mul3A_69 = arith.muli %arg1, %mul3A_68 : i32
      %add3A_70 = arith.constant 640 : i32
      %add3A_71 = arith.addi %add3A_70, %mul3A_69 : i32
      "tpu.region"() ({
        %run_scoped3A = tpu.sem_alloc : memref<!tpu.dma_semaphore, #tpu.memory_space<semaphore_mem>>
        %dma_start3A_76 = arith.constant 0 : i32
        %dma_start3A_77 = arith.constant 0 : i32
        %dma_start3A_78 = tpu.memref_slice %arg7[%dma_start3A_76, %dma_start3A_77] : memref<40x128xi32, #tpu.memory_space<vmem>> -> memref<40x128xi32, #tpu.memory_space<vmem>>
        %dma_start3A_79 = arith.constant 0 : i32
        %dma_start3A_80 = tpu.memref_slice %arg3[%add3A_71, %dma_start3A_79] : memref<1280x128xi32, #tpu.memory_space<hbm>> -> memref<40x128xi32, #tpu.memory_space<hbm>>
        %dma_start3A_81 = arith.constant 0 : i32
        %dma_start3A_82 = arith.constant 0 : i32
        %dma_start3A_83 = tpu.memref_slice %arg7[%dma_start3A_81, %dma_start3A_82] : memref<40x128xi32, #tpu.memory_space<vmem>> -> memref<40x128xi32, #tpu.memory_space<vmem>>
        %dma_start3A_84 = arith.constant 0 : i32
        %dma_start3A_85 = tpu.memref_slice %arg3[%add3A_71, %dma_start3A_84] : memref<1280x128xi32, #tpu.memory_space<hbm>> -> memref<40x128xi32, #tpu.memory_space<hbm>>
        tpu.enqueue_dma source(%dma_start3A_85 : memref<40x128xi32, #tpu.memory_space<hbm>>) target(%dma_start3A_83 : memref<40x128xi32, #tpu.memory_space<vmem>>) target_semaphore(%run_scoped3A : memref<!tpu.dma_semaphore, #tpu.memory_space<semaphore_mem>>)
        %dma_wait3A = arith.constant 0 : i32
        %dma_wait3A_86 = arith.constant 0 : i32
        %dma_wait3A_87 = tpu.memref_slice %arg7[%dma_wait3A, %dma_wait3A_86] : memref<40x128xi32, #tpu.memory_space<vmem>> -> memref<40x128xi32, #tpu.memory_space<vmem>>
        %dma_wait3A_88 = arith.constant 0 : i32
        %dma_wait3A_89 = tpu.memref_slice %arg3[%add3A_71, %dma_wait3A_88] : memref<1280x128xi32, #tpu.memory_space<hbm>> -> memref<40x128xi32, #tpu.memory_space<hbm>>
        %dma_wait3A_90 = arith.constant 0 : i32
        %dma_wait3A_91 = arith.constant 0 : i32
        %dma_wait3A_92 = tpu.memref_slice %arg7[%dma_wait3A_90, %dma_wait3A_91] : memref<40x128xi32, #tpu.memory_space<vmem>> -> memref<40x128xi32, #tpu.memory_space<vmem>>
        %dma_wait3A_93 = arith.constant 0 : i32
        %dma_wait3A_94 = tpu.memref_slice %arg3[%add3A_71, %dma_wait3A_93] : memref<1280x128xi32, #tpu.memory_space<hbm>> -> memref<40x128xi32, #tpu.memory_space<hbm>>
        tpu.wait_dma2 semaphore(%run_scoped3A : memref<!tpu.dma_semaphore, #tpu.memory_space<semaphore_mem>>) src(%dma_wait3A_94 : memref<40x128xi32, #tpu.memory_space<hbm>>) dst(%dma_wait3A_92 : memref<40x128xi32, #tpu.memory_space<vmem>>)
        tpu.yield
      }) : () -> ()
      %mul3A_72 = arith.constant 40 : i32
      %mul3A_73 = arith.muli %arg1, %mul3A_72 : i32
      %add3A_74 = arith.constant 640 : i32
      %add3A_75 = arith.addi %add3A_74, %mul3A_73 : i32
      "tpu.region"() ({
        %run_scoped3A = tpu.sem_alloc : memref<!tpu.dma_semaphore, #tpu.memory_space<semaphore_mem>>
        %dma_start3A_76 = arith.constant 0 : i32
        %dma_start3A_77 = arith.constant 0 : i32
        %dma_start3A_78 = tpu.memref_slice %arg8[%dma_start3A_76, %dma_start3A_77] : memref<40x128xi32, #tpu.memory_space<vmem>> -> memref<40x128xi32, #tpu.memory_space<vmem>>
        %dma_start3A_79 = arith.constant 0 : i32
        %dma_start3A_80 = tpu.memref_slice %arg4[%add3A_75, %dma_start3A_79] : memref<1280x128xi32, #tpu.memory_space<hbm>> -> memref<40x128xi32, #tpu.memory_space<hbm>>
        %dma_start3A_81 = arith.constant 0 : i32
        %dma_start3A_82 = arith.constant 0 : i32
        %dma_start3A_83 = tpu.memref_slice %arg8[%dma_start3A_81, %dma_start3A_82] : memref<40x128xi32, #tpu.memory_space<vmem>> -> memref<40x128xi32, #tpu.memory_space<vmem>>
        %dma_start3A_84 = arith.constant 0 : i32
        %dma_start3A_85 = tpu.memref_slice %arg4[%add3A_75, %dma_start3A_84] : memref<1280x128xi32, #tpu.memory_space<hbm>> -> memref<40x128xi32, #tpu.memory_space<hbm>>
        tpu.enqueue_dma source(%dma_start3A_85 : memref<40x128xi32, #tpu.memory_space<hbm>>) target(%dma_start3A_83 : memref<40x128xi32, #tpu.memory_space<vmem>>) target_semaphore(%run_scoped3A : memref<!tpu.dma_semaphore, #tpu.memory_space<semaphore_mem>>)
        %dma_wait3A = arith.constant 0 : i32
        %dma_wait3A_86 = arith.constant 0 : i32
        %dma_wait3A_87 = tpu.memref_slice %arg8[%dma_wait3A, %dma_wait3A_86] : memref<40x128xi32, #tpu.memory_space<vmem>> -> memref<40x128xi32, #tpu.memory_space<vmem>>
        %dma_wait3A_88 = arith.constant 0 : i32
        %dma_wait3A_89 = tpu.memref_slice %arg4[%add3A_75, %dma_wait3A_88] : memref<1280x128xi32, #tpu.memory_space<hbm>> -> memref<40x128xi32, #tpu.memory_space<hbm>>
        %dma_wait3A_90 = arith.constant 0 : i32
        %dma_wait3A_91 = arith.constant 0 : i32
        %dma_wait3A_92 = tpu.memref_slice %arg8[%dma_wait3A_90, %dma_wait3A_91] : memref<40x128xi32, #tpu.memory_space<vmem>> -> memref<40x128xi32, #tpu.memory_space<vmem>>
        %dma_wait3A_93 = arith.constant 0 : i32
        %dma_wait3A_94 = tpu.memref_slice %arg4[%add3A_75, %dma_wait3A_93] : memref<1280x128xi32, #tpu.memory_space<hbm>> -> memref<40x128xi32, #tpu.memory_space<hbm>>
        tpu.wait_dma2 semaphore(%run_scoped3A : memref<!tpu.dma_semaphore, #tpu.memory_space<semaphore_mem>>) src(%dma_wait3A_94 : memref<40x128xi32, #tpu.memory_space<hbm>>) dst(%dma_wait3A_92 : memref<40x128xi32, #tpu.memory_space<vmem>>)
        tpu.yield
      }) : () -> ()
    } else {
    }
    %dma_start3A = arith.constant 0 : i32
    %dma_start3A_17 = arith.constant 0 : i32
    %dma_start3A_18 = arith.constant 0 : i32
    %dma_start3A_19 = arith.constant 0 : i32
    %dma_start3A_20 = tpu.memref_slice %arg9[%dma_start3A_17, %dma_start3A_18, %dma_start3A_19] : memref<2x128x128xf32, #tpu.memory_space<vmem>> -> memref<1x128x128xf32, #tpu.memory_space<vmem>>
    %dma_start3A_21 = tpu.memref_squeeze %dma_start3A_20 : memref<1x128x128xf32, #tpu.memory_space<vmem>> -> memref<128x128xf32, #tpu.memory_space<vmem>>
    %dma_start3A_22 = arith.constant 0 : i32
    %dma_start3A_23 = tpu.memref_slice %arg7[%dma_start3A, %dma_start3A_22] : memref<40x128xi32, #tpu.memory_space<vmem>> -> memref<1x128xi32, #tpu.memory_space<vmem>>
    %dma_start3A_24 = tpu.memref_squeeze %dma_start3A_23 : memref<1x128xi32, #tpu.memory_space<vmem>> -> memref<128xi32, #tpu.memory_space<vmem>>
    %dma_start3A_25 = arith.constant 0 : i32
    %dma_start3A_26 = arith.constant 0 : i32
    %dma_start3A_27 = tpu.memref_slice %arg2[%dma_start3A_25, %dma_start3A_26] : memref<10112x128xf32, #tpu.memory_space<hbm>> -> memref<10112x128xf32, #tpu.memory_space<hbm>>
    tpu.enqueue_indirect_dma source(%dma_start3A_27 : memref<10112x128xf32, #tpu.memory_space<hbm>>) target(%dma_start3A_21 : memref<128x128xf32, #tpu.memory_space<vmem>>) offsets(%dma_start3A_24 : memref<128xi32, #tpu.memory_space<vmem>>) semaphore(%arg11 : memref<!tpu.dma_semaphore, #tpu.memory_space<semaphore_mem>>)
    %gt3A = arith.constant 1 : i32
    %gt3A_28 = arith.cmpi sgt, %select_n3A, %gt3A : i32
    %convert_element_type3A_29 = arith.extui %gt3A_28 : i1 to i32
    %cond3A_30 = arith.constant 0 : i32
    %cond3A_31 = arith.cmpi ne, %convert_element_type3A_29, %cond3A_30 : i32
    scf.if %cond3A_31 {
      %dma_start3A_68 = arith.constant 1 : i32
      %dma_start3A_69 = arith.constant 1 : i32
      %dma_start3A_70 = arith.constant 0 : i32
      %dma_start3A_71 = arith.constant 0 : i32
      %dma_start3A_72 = tpu.memref_slice %arg9[%dma_start3A_69, %dma_start3A_70, %dma_start3A_71] : memref<2x128x128xf32, #tpu.memory_space<vmem>> -> memref<1x128x128xf32, #tpu.memory_space<vmem>>
      %dma_start3A_73 = tpu.memref_squeeze %dma_start3A_72 : memref<1x128x128xf32, #tpu.memory_space<vmem>> -> memref<128x128xf32, #tpu.memory_space<vmem>>
      %dma_start3A_74 = arith.constant 0 : i32
      %dma_start3A_75 = tpu.memref_slice %arg7[%dma_start3A_68, %dma_start3A_74] : memref<40x128xi32, #tpu.memory_space<vmem>> -> memref<1x128xi32, #tpu.memory_space<vmem>>
      %dma_start3A_76 = tpu.memref_squeeze %dma_start3A_75 : memref<1x128xi32, #tpu.memory_space<vmem>> -> memref<128xi32, #tpu.memory_space<vmem>>
      %dma_start3A_77 = arith.constant 0 : i32
      %dma_start3A_78 = arith.constant 0 : i32
      %dma_start3A_79 = tpu.memref_slice %arg2[%dma_start3A_77, %dma_start3A_78] : memref<10112x128xf32, #tpu.memory_space<hbm>> -> memref<10112x128xf32, #tpu.memory_space<hbm>>
      tpu.enqueue_indirect_dma source(%dma_start3A_79 : memref<10112x128xf32, #tpu.memory_space<hbm>>) target(%dma_start3A_73 : memref<128x128xf32, #tpu.memory_space<vmem>>) offsets(%dma_start3A_76 : memref<128xi32, #tpu.memory_space<vmem>>) semaphore(%arg12 : memref<!tpu.dma_semaphore, #tpu.memory_space<semaphore_mem>>)
    } else {
    }
    %dma_start3A_32 = arith.constant 0 : i32
    %dma_start3A_33 = arith.constant 0 : i32
    %dma_start3A_34 = tpu.memref_slice %arg8[%dma_start3A_32, %dma_start3A_33] : memref<40x128xi32, #tpu.memory_space<vmem>> -> memref<1x128xi32, #tpu.memory_space<vmem>>
    %dma_start3A_35 = tpu.memref_squeeze %dma_start3A_34 : memref<1x128xi32, #tpu.memory_space<vmem>> -> memref<128xi32, #tpu.memory_space<vmem>>
    %dma_start3A_36 = arith.constant 0 : i32
    %dma_start3A_37 = arith.constant 0 : i32
    %dma_start3A_38 = tpu.memref_slice %arg2[%dma_start3A_36, %dma_start3A_37] : memref<10112x128xf32, #tpu.memory_space<hbm>> -> memref<10112x128xf32, #tpu.memory_space<hbm>>
    tpu.enqueue_indirect_dma source(%dma_start3A_38 : memref<10112x128xf32, #tpu.memory_space<hbm>>) target(%arg10 : memref<128x128xf32, #tpu.memory_space<vmem>>) offsets(%dma_start3A_35 : memref<128xi32, #tpu.memory_space<vmem>>) semaphore(%arg13 : memref<!tpu.dma_semaphore, #tpu.memory_space<semaphore_mem>>)
    %add3A_39 = arith.constant 1 : i32
    %add3A_40 = arith.addi %select_n3A, %add3A_39 : i32
    %jit3A_41 = arith.constant 2 : i32
    %div3A = arith.divsi %add3A_40, %jit3A_41 : i32
    %sign3A = arith.constant 0 : i32
    %sign3A_42 = arith.cmpi sgt, %add3A_40, %sign3A : i32
    %sign3A_43 = arith.extui %sign3A_42 : i1 to i32
    %sign3A_44 = arith.constant 0 : i32
    %sign3A_45 = arith.cmpi slt, %add3A_40, %sign3A_44 : i32
    %sign3A_46 = arith.extui %sign3A_45 : i1 to i32
    %sign3A_47 = arith.subi %sign3A_43, %sign3A_46 : i32
    %sign3A_48 = arith.constant 0 : i32
    %sign3A_49 = arith.cmpi sgt, %jit3A_41, %sign3A_48 : i32
    %sign3A_50 = arith.extui %sign3A_49 : i1 to i32
    %sign3A_51 = arith.constant 0 : i32
    %sign3A_52 = arith.cmpi slt, %jit3A_41, %sign3A_51 : i32
    %sign3A_53 = arith.extui %sign3A_52 : i1 to i32
    %sign3A_54 = arith.subi %sign3A_50, %sign3A_53 : i32
    %ne3A = arith.cmpi ne, %sign3A_47, %sign3A_54 : i32
    %rem3A = arith.remsi %add3A_40, %jit3A_41 : i32
    %ne3A_55 = arith.constant 0 : i32
    %ne3A_56 = arith.cmpi ne, %rem3A, %ne3A_55 : i32
    %and3A = arith.andi %ne3A, %ne3A_56 : i1
    %sub3A = arith.constant 1 : i32
    %sub3A_57 = arith.subi %div3A, %sub3A : i32
    %select_n3A_58 = arith.select %and3A, %sub3A_57, %div3A : i32
    %while3A = arith.constant 0 : i32
    %while3A_59 = arith.constant 0 : i32
    %while3A_60 = arith.subi %select_n3A_58, %while3A_59 : i32
    %while3A_61 = arith.addi %while3A_59, %while3A_60 : i32
    %while3A_62 = arith.constant 1 : i32
    %while3A_63 = arith.divsi %while3A_60, %while3A_62 : i32
    %while3A_64 = arith.muli %while3A_63, %while3A_62 : i32
    %while3A_65 = arith.addi %while3A_59, %while3A_64 : i32
    %while3A_66 = arith.constant 1 : i32
    scf.for %while3A_68 = %while3A_59 to %while3A_65 step %while3A_66  : i32 {
      %mul3A_69 = arith.constant 2 : i32
      %mul3A_70 = arith.muli %mul3A_69, %while3A_68 : i32
      %dma_wait3A = arith.constant 0 : i32
      %dma_wait3A_71 = arith.constant 0 : i32
      %dma_wait3A_72 = arith.constant 0 : i32
      %dma_wait3A_73 = tpu.memref_slice %arg9[%dma_wait3A, %dma_wait3A_71, %dma_wait3A_72] : memref<2x128x128xf32, #tpu.memory_space<vmem>> -> memref<1x128x128xf32, #tpu.memory_space<vmem>>
      %dma_wait3A_74 = tpu.memref_squeeze %dma_wait3A_73 : memref<1x128x128xf32, #tpu.memory_space<vmem>> -> memref<128x128xf32, #tpu.memory_space<vmem>>
      %dma_wait3A_75 = arith.constant 0 : i32
      %dma_wait3A_76 = tpu.memref_slice %arg7[%mul3A_70, %dma_wait3A_75] : memref<40x128xi32, #tpu.memory_space<vmem>> -> memref<1x128xi32, #tpu.memory_space<vmem>>
      %dma_wait3A_77 = tpu.memref_squeeze %dma_wait3A_76 : memref<1x128xi32, #tpu.memory_space<vmem>> -> memref<128xi32, #tpu.memory_space<vmem>>
      %dma_wait3A_78 = arith.constant 0 : i32
      %dma_wait3A_79 = arith.constant 0 : i32
      %dma_wait3A_80 = tpu.memref_slice %arg2[%dma_wait3A_78, %dma_wait3A_79] : memref<10112x128xf32, #tpu.memory_space<hbm>> -> memref<10112x128xf32, #tpu.memory_space<hbm>>
      tpu.wait_indirect_dma semaphore(%arg11 : memref<!tpu.dma_semaphore, #tpu.memory_space<semaphore_mem>>) src(%dma_wait3A_80 : memref<10112x128xf32, #tpu.memory_space<hbm>>) dst(%dma_wait3A_74 : memref<128x128xf32, #tpu.memory_space<vmem>>)
      %add3A_81 = arith.addi %select_n3A_8, %mul3A_70 : i32
      %mul3A_82 = arith.constant 128 : i32
      %mul3A_83 = arith.muli %add3A_81, %mul3A_82 : i32
      %run_scoped3A = arith.constant 0 : i32
      "tpu.region"() ({
        %run_scoped3A_110 = tpu.sem_alloc : memref<!tpu.dma_semaphore, #tpu.memory_space<semaphore_mem>>
        %dma_start3A_111 = arith.constant 0 : i32
        %dma_start3A_112 = arith.constant 0 : i32
        %dma_start3A_113 = tpu.memref_slice %arg9[%run_scoped3A, %dma_start3A_111, %dma_start3A_112] : memref<2x128x128xf32, #tpu.memory_space<vmem>> -> memref<1x128x128xf32, #tpu.memory_space<vmem>>
        %dma_start3A_114 = tpu.memref_squeeze %dma_start3A_113 : memref<1x128x128xf32, #tpu.memory_space<vmem>> -> memref<128x128xf32, #tpu.memory_space<vmem>>
        %dma_start3A_115 = arith.constant 0 : i32
        %dma_start3A_116 = tpu.memref_slice %arg5[%mul3A_83, %dma_start3A_115] : memref<163840x128xf32, #tpu.memory_space<hbm>> -> memref<128x128xf32, #tpu.memory_space<hbm>>
        %dma_start3A_117 = arith.constant 0 : i32
        %dma_start3A_118 = tpu.memref_slice %arg5[%mul3A_83, %dma_start3A_117] : memref<163840x128xf32, #tpu.memory_space<hbm>> -> memref<128x128xf32, #tpu.memory_space<hbm>>
        %dma_start3A_119 = arith.constant 0 : i32
        %dma_start3A_120 = arith.constant 0 : i32
        %dma_start3A_121 = tpu.memref_slice %arg9[%run_scoped3A, %dma_start3A_119, %dma_start3A_120] : memref<2x128x128xf32, #tpu.memory_space<vmem>> -> memref<1x128x128xf32, #tpu.memory_space<vmem>>
        %dma_start3A_122 = tpu.memref_squeeze %dma_start3A_121 : memref<1x128x128xf32, #tpu.memory_space<vmem>> -> memref<128x128xf32, #tpu.memory_space<vmem>>
        tpu.enqueue_dma source(%dma_start3A_122 : memref<128x128xf32, #tpu.memory_space<vmem>>) target(%dma_start3A_118 : memref<128x128xf32, #tpu.memory_space<hbm>>) target_semaphore(%run_scoped3A_110 : memref<!tpu.dma_semaphore, #tpu.memory_space<semaphore_mem>>)
        %dma_wait3A_123 = arith.constant 0 : i32
        %dma_wait3A_124 = arith.constant 0 : i32
        %dma_wait3A_125 = tpu.memref_slice %arg9[%run_scoped3A, %dma_wait3A_123, %dma_wait3A_124] : memref<2x128x128xf32, #tpu.memory_space<vmem>> -> memref<1x128x128xf32, #tpu.memory_space<vmem>>
        %dma_wait3A_126 = tpu.memref_squeeze %dma_wait3A_125 : memref<1x128x128xf32, #tpu.memory_space<vmem>> -> memref<128x128xf32, #tpu.memory_space<vmem>>
        %dma_wait3A_127 = arith.constant 0 : i32
        %dma_wait3A_128 = tpu.memref_slice %arg5[%mul3A_83, %dma_wait3A_127] : memref<163840x128xf32, #tpu.memory_space<hbm>> -> memref<128x128xf32, #tpu.memory_space<hbm>>
        %dma_wait3A_129 = arith.constant 0 : i32
        %dma_wait3A_130 = tpu.memref_slice %arg5[%mul3A_83, %dma_wait3A_129] : memref<163840x128xf32, #tpu.memory_space<hbm>> -> memref<128x128xf32, #tpu.memory_space<hbm>>
        %dma_wait3A_131 = arith.constant 0 : i32
        %dma_wait3A_132 = arith.constant 0 : i32
        %dma_wait3A_133 = tpu.memref_slice %arg9[%run_scoped3A, %dma_wait3A_131, %dma_wait3A_132] : memref<2x128x128xf32, #tpu.memory_space<vmem>> -> memref<1x128x128xf32, #tpu.memory_space<vmem>>
        %dma_wait3A_134 = tpu.memref_squeeze %dma_wait3A_133 : memref<1x128x128xf32, #tpu.memory_space<vmem>> -> memref<128x128xf32, #tpu.memory_space<vmem>>
        tpu.wait_dma2 semaphore(%run_scoped3A_110 : memref<!tpu.dma_semaphore, #tpu.memory_space<semaphore_mem>>) src(%dma_wait3A_134 : memref<128x128xf32, #tpu.memory_space<vmem>>) dst(%dma_wait3A_130 : memref<128x128xf32, #tpu.memory_space<hbm>>)
        tpu.yield
      }) : () -> ()
      %add3A_84 = arith.constant 2 : i32
      %add3A_85 = arith.addi %mul3A_70, %add3A_84 : i32
      %lt3A = arith.cmpi slt, %add3A_85, %select_n3A : i32
      %convert_element_type3A_86 = arith.extui %lt3A : i1 to i32
      %cond3A_87 = arith.constant 0 : i32
      %cond3A_88 = arith.cmpi ne, %convert_element_type3A_86, %cond3A_87 : i32
      scf.if %cond3A_88 {
        %add3A_110 = arith.constant 2 : i32
        %add3A_111 = arith.addi %mul3A_70, %add3A_110 : i32
        %dma_start3A_112 = arith.constant 0 : i32
        %dma_start3A_113 = arith.constant 0 : i32
        %dma_start3A_114 = arith.constant 0 : i32
        %dma_start3A_115 = tpu.memref_slice %arg9[%dma_start3A_112, %dma_start3A_113, %dma_start3A_114] : memref<2x128x128xf32, #tpu.memory_space<vmem>> -> memref<1x128x128xf32, #tpu.memory_space<vmem>>
        %dma_start3A_116 = tpu.memref_squeeze %dma_start3A_115 : memref<1x128x128xf32, #tpu.memory_space<vmem>> -> memref<128x128xf32, #tpu.memory_space<vmem>>
        %dma_start3A_117 = arith.constant 0 : i32
        %dma_start3A_118 = tpu.memref_slice %arg7[%add3A_111, %dma_start3A_117] : memref<40x128xi32, #tpu.memory_space<vmem>> -> memref<1x128xi32, #tpu.memory_space<vmem>>
        %dma_start3A_119 = tpu.memref_squeeze %dma_start3A_118 : memref<1x128xi32, #tpu.memory_space<vmem>> -> memref<128xi32, #tpu.memory_space<vmem>>
        %dma_start3A_120 = arith.constant 0 : i32
        %dma_start3A_121 = arith.constant 0 : i32
        %dma_start3A_122 = tpu.memref_slice %arg2[%dma_start3A_120, %dma_start3A_121] : memref<10112x128xf32, #tpu.memory_space<hbm>> -> memref<10112x128xf32, #tpu.memory_space<hbm>>
        tpu.enqueue_indirect_dma source(%dma_start3A_122 : memref<10112x128xf32, #tpu.memory_space<hbm>>) target(%dma_start3A_116 : memref<128x128xf32, #tpu.memory_space<vmem>>) offsets(%dma_start3A_119 : memref<128xi32, #tpu.memory_space<vmem>>) semaphore(%arg11 : memref<!tpu.dma_semaphore, #tpu.memory_space<semaphore_mem>>)
      } else {
      }
      %dma_wait3A_89 = arith.constant 0 : i32
      %dma_wait3A_90 = tpu.memref_slice %arg8[%mul3A_70, %dma_wait3A_89] : memref<40x128xi32, #tpu.memory_space<vmem>> -> memref<1x128xi32, #tpu.memory_space<vmem>>
      %dma_wait3A_91 = tpu.memref_squeeze %dma_wait3A_90 : memref<1x128xi32, #tpu.memory_space<vmem>> -> memref<128xi32, #tpu.memory_space<vmem>>
      %dma_wait3A_92 = arith.constant 0 : i32
      %dma_wait3A_93 = arith.constant 0 : i32
      %dma_wait3A_94 = tpu.memref_slice %arg2[%dma_wait3A_92, %dma_wait3A_93] : memref<10112x128xf32, #tpu.memory_space<hbm>> -> memref<10112x128xf32, #tpu.memory_space<hbm>>
      tpu.wait_indirect_dma semaphore(%arg13 : memref<!tpu.dma_semaphore, #tpu.memory_space<semaphore_mem>>) src(%dma_wait3A_94 : memref<10112x128xf32, #tpu.memory_space<hbm>>) dst(%arg10 : memref<128x128xf32, #tpu.memory_space<vmem>>)
      %add3A_95 = arith.addi %select_n3A_8, %mul3A_70 : i32
      %mul3A_96 = arith.constant 128 : i32
      %mul3A_97 = arith.muli %add3A_95, %mul3A_96 : i32
      "tpu.region"() ({
        %run_scoped3A_110 = tpu.sem_alloc : memref<!tpu.dma_semaphore, #tpu.memory_space<semaphore_mem>>
        %dma_start3A_111 = arith.constant 0 : i32
        %dma_start3A_112 = tpu.memref_slice %arg6[%mul3A_97, %dma_start3A_111] : memref<163840x128xf32, #tpu.memory_space<hbm>> -> memref<128x128xf32, #tpu.memory_space<hbm>>
        %dma_start3A_113 = arith.constant 0 : i32
        %dma_start3A_114 = tpu.memref_slice %arg6[%mul3A_97, %dma_start3A_113] : memref<163840x128xf32, #tpu.memory_space<hbm>> -> memref<128x128xf32, #tpu.memory_space<hbm>>
        tpu.enqueue_dma source(%arg10 : memref<128x128xf32, #tpu.memory_space<vmem>>) target(%dma_start3A_114 : memref<128x128xf32, #tpu.memory_space<hbm>>) target_semaphore(%run_scoped3A_110 : memref<!tpu.dma_semaphore, #tpu.memory_space<semaphore_mem>>)
        %dma_wait3A_115 = arith.constant 0 : i32
        %dma_wait3A_116 = tpu.memref_slice %arg6[%mul3A_97, %dma_wait3A_115] : memref<163840x128xf32, #tpu.memory_space<hbm>> -> memref<128x128xf32, #tpu.memory_space<hbm>>
        %dma_wait3A_117 = arith.constant 0 : i32
        %dma_wait3A_118 = tpu.memref_slice %arg6[%mul3A_97, %dma_wait3A_117] : memref<163840x128xf32, #tpu.memory_space<hbm>> -> memref<128x128xf32, #tpu.memory_space<hbm>>
        tpu.wait_dma2 semaphore(%run_scoped3A_110 : memref<!tpu.dma_semaphore, #tpu.memory_space<semaphore_mem>>) src(%arg10 : memref<128x128xf32, #tpu.memory_space<vmem>>) dst(%dma_wait3A_118 : memref<128x128xf32, #tpu.memory_space<hbm>>)
        tpu.yield
      }) : () -> ()
      %add3A_98 = arith.constant 1 : i32
      %add3A_99 = arith.addi %mul3A_70, %add3A_98 : i32
      %lt3A_100 = arith.cmpi slt, %add3A_99, %select_n3A : i32
      %convert_element_type3A_101 = arith.extui %lt3A_100 : i1 to i32
      %cond3A_102 = arith.constant 0 : i32
      %cond3A_103 = arith.cmpi ne, %convert_element_type3A_101, %cond3A_102 : i32
      scf.if %cond3A_103 {
        %add3A_110 = arith.constant 1 : i32
        %add3A_111 = arith.addi %mul3A_70, %add3A_110 : i32
        %dma_start3A_112 = arith.constant 0 : i32
        %dma_start3A_113 = tpu.memref_slice %arg8[%add3A_111, %dma_start3A_112] : memref<40x128xi32, #tpu.memory_space<vmem>> -> memref<1x128xi32, #tpu.memory_space<vmem>>
        %dma_start3A_114 = tpu.memref_squeeze %dma_start3A_113 : memref<1x128xi32, #tpu.memory_space<vmem>> -> memref<128xi32, #tpu.memory_space<vmem>>
        %dma_start3A_115 = arith.constant 0 : i32
        %dma_start3A_116 = arith.constant 0 : i32
        %dma_start3A_117 = tpu.memref_slice %arg2[%dma_start3A_115, %dma_start3A_116] : memref<10112x128xf32, #tpu.memory_space<hbm>> -> memref<10112x128xf32, #tpu.memory_space<hbm>>
        tpu.enqueue_indirect_dma source(%dma_start3A_117 : memref<10112x128xf32, #tpu.memory_space<hbm>>) target(%arg10 : memref<128x128xf32, #tpu.memory_space<vmem>>) offsets(%dma_start3A_114 : memref<128xi32, #tpu.memory_space<vmem>>) semaphore(%arg13 : memref<!tpu.dma_semaphore, #tpu.memory_space<semaphore_mem>>)
      } else {
      }
      %add3A_104 = arith.constant 1 : i32
      %add3A_105 = arith.addi %mul3A_70, %add3A_104 : i32
      %lt3A_106 = arith.cmpi slt, %add3A_105, %select_n3A : i32
      %convert_element_type3A_107 = arith.extui %lt3A_106 : i1 to i32
      %cond3A_108 = arith.constant 0 : i32
      %cond3A_109 = arith.cmpi ne, %convert_element_type3A_107, %cond3A_108 : i32
      scf.if %cond3A_109 {
        %add3A_110 = arith.constant 1 : i32
        %add3A_111 = arith.addi %mul3A_70, %add3A_110 : i32
        %dma_wait3A_112 = arith.constant 1 : i32
        %dma_wait3A_113 = arith.constant 0 : i32
        %dma_wait3A_114 = arith.constant 0 : i32
        %dma_wait3A_115 = tpu.memref_slice %arg9[%dma_wait3A_112, %dma_wait3A_113, %dma_wait3A_114] : memref<2x128x128xf32, #tpu.memory_space<vmem>> -> memref<1x128x128xf32, #tpu.memory_space<vmem>>
        %dma_wait3A_116 = tpu.memref_squeeze %dma_wait3A_115 : memref<1x128x128xf32, #tpu.memory_space<vmem>> -> memref<128x128xf32, #tpu.memory_space<vmem>>
        %dma_wait3A_117 = arith.constant 0 : i32
        %dma_wait3A_118 = tpu.memref_slice %arg7[%add3A_111, %dma_wait3A_117] : memref<40x128xi32, #tpu.memory_space<vmem>> -> memref<1x128xi32, #tpu.memory_space<vmem>>
        %dma_wait3A_119 = tpu.memref_squeeze %dma_wait3A_118 : memref<1x128xi32, #tpu.memory_space<vmem>> -> memref<128xi32, #tpu.memory_space<vmem>>
        %dma_wait3A_120 = arith.constant 0 : i32
        %dma_wait3A_121 = arith.constant 0 : i32
        %dma_wait3A_122 = tpu.memref_slice %arg2[%dma_wait3A_120, %dma_wait3A_121] : memref<10112x128xf32, #tpu.memory_space<hbm>> -> memref<10112x128xf32, #tpu.memory_space<hbm>>
        tpu.wait_indirect_dma semaphore(%arg12 : memref<!tpu.dma_semaphore, #tpu.memory_space<semaphore_mem>>) src(%dma_wait3A_122 : memref<10112x128xf32, #tpu.memory_space<hbm>>) dst(%dma_wait3A_116 : memref<128x128xf32, #tpu.memory_space<vmem>>)
        %add3A_123 = arith.addi %select_n3A_8, %mul3A_70 : i32
        %add3A_124 = arith.constant 1 : i32
        %add3A_125 = arith.addi %add3A_123, %add3A_124 : i32
        %mul3A_126 = arith.constant 128 : i32
        %mul3A_127 = arith.muli %add3A_125, %mul3A_126 : i32
        %run_scoped3A_128 = arith.constant 1 : i32
        "tpu.region"() ({
          %run_scoped3A_154 = tpu.sem_alloc : memref<!tpu.dma_semaphore, #tpu.memory_space<semaphore_mem>>
          %dma_start3A_155 = arith.constant 0 : i32
          %dma_start3A_156 = arith.constant 0 : i32
          %dma_start3A_157 = tpu.memref_slice %arg9[%run_scoped3A_128, %dma_start3A_155, %dma_start3A_156] : memref<2x128x128xf32, #tpu.memory_space<vmem>> -> memref<1x128x128xf32, #tpu.memory_space<vmem>>
          %dma_start3A_158 = tpu.memref_squeeze %dma_start3A_157 : memref<1x128x128xf32, #tpu.memory_space<vmem>> -> memref<128x128xf32, #tpu.memory_space<vmem>>
          %dma_start3A_159 = arith.constant 0 : i32
          %dma_start3A_160 = tpu.memref_slice %arg5[%mul3A_127, %dma_start3A_159] : memref<163840x128xf32, #tpu.memory_space<hbm>> -> memref<128x128xf32, #tpu.memory_space<hbm>>
          %dma_start3A_161 = arith.constant 0 : i32
          %dma_start3A_162 = tpu.memref_slice %arg5[%mul3A_127, %dma_start3A_161] : memref<163840x128xf32, #tpu.memory_space<hbm>> -> memref<128x128xf32, #tpu.memory_space<hbm>>
          %dma_start3A_163 = arith.constant 0 : i32
          %dma_start3A_164 = arith.constant 0 : i32
          %dma_start3A_165 = tpu.memref_slice %arg9[%run_scoped3A_128, %dma_start3A_163, %dma_start3A_164] : memref<2x128x128xf32, #tpu.memory_space<vmem>> -> memref<1x128x128xf32, #tpu.memory_space<vmem>>
          %dma_start3A_166 = tpu.memref_squeeze %dma_start3A_165 : memref<1x128x128xf32, #tpu.memory_space<vmem>> -> memref<128x128xf32, #tpu.memory_space<vmem>>
          tpu.enqueue_dma source(%dma_start3A_166 : memref<128x128xf32, #tpu.memory_space<vmem>>) target(%dma_start3A_162 : memref<128x128xf32, #tpu.memory_space<hbm>>) target_semaphore(%run_scoped3A_154 : memref<!tpu.dma_semaphore, #tpu.memory_space<semaphore_mem>>)
          %dma_wait3A_167 = arith.constant 0 : i32
          %dma_wait3A_168 = arith.constant 0 : i32
          %dma_wait3A_169 = tpu.memref_slice %arg9[%run_scoped3A_128, %dma_wait3A_167, %dma_wait3A_168] : memref<2x128x128xf32, #tpu.memory_space<vmem>> -> memref<1x128x128xf32, #tpu.memory_space<vmem>>
          %dma_wait3A_170 = tpu.memref_squeeze %dma_wait3A_169 : memref<1x128x128xf32, #tpu.memory_space<vmem>> -> memref<128x128xf32, #tpu.memory_space<vmem>>
          %dma_wait3A_171 = arith.constant 0 : i32
          %dma_wait3A_172 = tpu.memref_slice %arg5[%mul3A_127, %dma_wait3A_171] : memref<163840x128xf32, #tpu.memory_space<hbm>> -> memref<128x128xf32, #tpu.memory_space<hbm>>
          %dma_wait3A_173 = arith.constant 0 : i32
          %dma_wait3A_174 = tpu.memref_slice %arg5[%mul3A_127, %dma_wait3A_173] : memref<163840x128xf32, #tpu.memory_space<hbm>> -> memref<128x128xf32, #tpu.memory_space<hbm>>
          %dma_wait3A_175 = arith.constant 0 : i32
          %dma_wait3A_176 = arith.constant 0 : i32
          %dma_wait3A_177 = tpu.memref_slice %arg9[%run_scoped3A_128, %dma_wait3A_175, %dma_wait3A_176] : memref<2x128x128xf32, #tpu.memory_space<vmem>> -> memref<1x128x128xf32, #tpu.memory_space<vmem>>
          %dma_wait3A_178 = tpu.memref_squeeze %dma_wait3A_177 : memref<1x128x128xf32, #tpu.memory_space<vmem>> -> memref<128x128xf32, #tpu.memory_space<vmem>>
          tpu.wait_dma2 semaphore(%run_scoped3A_154 : memref<!tpu.dma_semaphore, #tpu.memory_space<semaphore_mem>>) src(%dma_wait3A_178 : memref<128x128xf32, #tpu.memory_space<vmem>>) dst(%dma_wait3A_174 : memref<128x128xf32, #tpu.memory_space<hbm>>)
          tpu.yield
        }) : () -> ()
        %add3A_129 = arith.constant 3 : i32
        %add3A_130 = arith.addi %mul3A_70, %add3A_129 : i32
        %lt3A_131 = arith.cmpi slt, %add3A_130, %select_n3A : i32
        %convert_element_type3A_132 = arith.extui %lt3A_131 : i1 to i32
        %cond3A_133 = arith.constant 0 : i32
        %cond3A_134 = arith.cmpi ne, %convert_element_type3A_132, %cond3A_133 : i32
        scf.if %cond3A_134 {
          %add3A_154 = arith.constant 3 : i32
          %add3A_155 = arith.addi %mul3A_70, %add3A_154 : i32
          %dma_start3A_156 = arith.constant 1 : i32
          %dma_start3A_157 = arith.constant 0 : i32
          %dma_start3A_158 = arith.constant 0 : i32
          %dma_start3A_159 = tpu.memref_slice %arg9[%dma_start3A_156, %dma_start3A_157, %dma_start3A_158] : memref<2x128x128xf32, #tpu.memory_space<vmem>> -> memref<1x128x128xf32, #tpu.memory_space<vmem>>
          %dma_start3A_160 = tpu.memref_squeeze %dma_start3A_159 : memref<1x128x128xf32, #tpu.memory_space<vmem>> -> memref<128x128xf32, #tpu.memory_space<vmem>>
          %dma_start3A_161 = arith.constant 0 : i32
          %dma_start3A_162 = tpu.memref_slice %arg7[%add3A_155, %dma_start3A_161] : memref<40x128xi32, #tpu.memory_space<vmem>> -> memref<1x128xi32, #tpu.memory_space<vmem>>
          %dma_start3A_163 = tpu.memref_squeeze %dma_start3A_162 : memref<1x128xi32, #tpu.memory_space<vmem>> -> memref<128xi32, #tpu.memory_space<vmem>>
          %dma_start3A_164 = arith.constant 0 : i32
          %dma_start3A_165 = arith.constant 0 : i32
          %dma_start3A_166 = tpu.memref_slice %arg2[%dma_start3A_164, %dma_start3A_165] : memref<10112x128xf32, #tpu.memory_space<hbm>> -> memref<10112x128xf32, #tpu.memory_space<hbm>>
          tpu.enqueue_indirect_dma source(%dma_start3A_166 : memref<10112x128xf32, #tpu.memory_space<hbm>>) target(%dma_start3A_160 : memref<128x128xf32, #tpu.memory_space<vmem>>) offsets(%dma_start3A_163 : memref<128xi32, #tpu.memory_space<vmem>>) semaphore(%arg12 : memref<!tpu.dma_semaphore, #tpu.memory_space<semaphore_mem>>)
        } else {
        }
        %add3A_135 = arith.constant 1 : i32
        %add3A_136 = arith.addi %mul3A_70, %add3A_135 : i32
        %dma_wait3A_137 = arith.constant 0 : i32
        %dma_wait3A_138 = tpu.memref_slice %arg8[%add3A_136, %dma_wait3A_137] : memref<40x128xi32, #tpu.memory_space<vmem>> -> memref<1x128xi32, #tpu.memory_space<vmem>>
        %dma_wait3A_139 = tpu.memref_squeeze %dma_wait3A_138 : memref<1x128xi32, #tpu.memory_space<vmem>> -> memref<128xi32, #tpu.memory_space<vmem>>
        %dma_wait3A_140 = arith.constant 0 : i32
        %dma_wait3A_141 = arith.constant 0 : i32
        %dma_wait3A_142 = tpu.memref_slice %arg2[%dma_wait3A_140, %dma_wait3A_141] : memref<10112x128xf32, #tpu.memory_space<hbm>> -> memref<10112x128xf32, #tpu.memory_space<hbm>>
        tpu.wait_indirect_dma semaphore(%arg13 : memref<!tpu.dma_semaphore, #tpu.memory_space<semaphore_mem>>) src(%dma_wait3A_142 : memref<10112x128xf32, #tpu.memory_space<hbm>>) dst(%arg10 : memref<128x128xf32, #tpu.memory_space<vmem>>)
        %add3A_143 = arith.addi %select_n3A_8, %mul3A_70 : i32
        %add3A_144 = arith.constant 1 : i32
        %add3A_145 = arith.addi %add3A_143, %add3A_144 : i32
        %mul3A_146 = arith.constant 128 : i32
        %mul3A_147 = arith.muli %add3A_145, %mul3A_146 : i32
        "tpu.region"() ({
          %run_scoped3A_154 = tpu.sem_alloc : memref<!tpu.dma_semaphore, #tpu.memory_space<semaphore_mem>>
          %dma_start3A_155 = arith.constant 0 : i32
          %dma_start3A_156 = tpu.memref_slice %arg6[%mul3A_147, %dma_start3A_155] : memref<163840x128xf32, #tpu.memory_space<hbm>> -> memref<128x128xf32, #tpu.memory_space<hbm>>
          %dma_start3A_157 = arith.constant 0 : i32
          %dma_start3A_158 = tpu.memref_slice %arg6[%mul3A_147, %dma_start3A_157] : memref<163840x128xf32, #tpu.memory_space<hbm>> -> memref<128x128xf32, #tpu.memory_space<hbm>>
          tpu.enqueue_dma source(%arg10 : memref<128x128xf32, #tpu.memory_space<vmem>>) target(%dma_start3A_158 : memref<128x128xf32, #tpu.memory_space<hbm>>) target_semaphore(%run_scoped3A_154 : memref<!tpu.dma_semaphore, #tpu.memory_space<semaphore_mem>>)
          %dma_wait3A_159 = arith.constant 0 : i32
          %dma_wait3A_160 = tpu.memref_slice %arg6[%mul3A_147, %dma_wait3A_159] : memref<163840x128xf32, #tpu.memory_space<hbm>> -> memref<128x128xf32, #tpu.memory_space<hbm>>
          %dma_wait3A_161 = arith.constant 0 : i32
          %dma_wait3A_162 = tpu.memref_slice %arg6[%mul3A_147, %dma_wait3A_161] : memref<163840x128xf32, #tpu.memory_space<hbm>> -> memref<128x128xf32, #tpu.memory_space<hbm>>
          tpu.wait_dma2 semaphore(%run_scoped3A_154 : memref<!tpu.dma_semaphore, #tpu.memory_space<semaphore_mem>>) src(%arg10 : memref<128x128xf32, #tpu.memory_space<vmem>>) dst(%dma_wait3A_162 : memref<128x128xf32, #tpu.memory_space<hbm>>)
          tpu.yield
        }) : () -> ()
        %add3A_148 = arith.constant 2 : i32
        %add3A_149 = arith.addi %mul3A_70, %add3A_148 : i32
        %lt3A_150 = arith.cmpi slt, %add3A_149, %select_n3A : i32
        %convert_element_type3A_151 = arith.extui %lt3A_150 : i1 to i32
        %cond3A_152 = arith.constant 0 : i32
        %cond3A_153 = arith.cmpi ne, %convert_element_type3A_151, %cond3A_152 : i32
        scf.if %cond3A_153 {
          %add3A_154 = arith.constant 2 : i32
          %add3A_155 = arith.addi %mul3A_70, %add3A_154 : i32
          %dma_start3A_156 = arith.constant 0 : i32
          %dma_start3A_157 = tpu.memref_slice %arg8[%add3A_155, %dma_start3A_156] : memref<40x128xi32, #tpu.memory_space<vmem>> -> memref<1x128xi32, #tpu.memory_space<vmem>>
          %dma_start3A_158 = tpu.memref_squeeze %dma_start3A_157 : memref<1x128xi32, #tpu.memory_space<vmem>> -> memref<128xi32, #tpu.memory_space<vmem>>
          %dma_start3A_159 = arith.constant 0 : i32
          %dma_start3A_160 = arith.constant 0 : i32
          %dma_start3A_161 = tpu.memref_slice %arg2[%dma_start3A_159, %dma_start3A_160] : memref<10112x128xf32, #tpu.memory_space<hbm>> -> memref<10112x128xf32, #tpu.memory_space<hbm>>
          tpu.enqueue_indirect_dma source(%dma_start3A_161 : memref<10112x128xf32, #tpu.memory_space<hbm>>) target(%arg10 : memref<128x128xf32, #tpu.memory_space<vmem>>) offsets(%dma_start3A_158 : memref<128xi32, #tpu.memory_space<vmem>>) semaphore(%arg13 : memref<!tpu.dma_semaphore, #tpu.memory_space<semaphore_mem>>)
        } else {
        }
      } else {
      }
    }
    %while3A_67 = arith.constant 1 : i32
    scf.for %while3A_68 = %while3A_65 to %while3A_61 step %while3A_67  : i32 {
      %mul3A_69 = arith.constant 2 : i32
      %mul3A_70 = arith.muli %mul3A_69, %while3A_68 : i32
      %dma_wait3A = arith.constant 0 : i32
      %dma_wait3A_71 = arith.constant 0 : i32
      %dma_wait3A_72 = arith.constant 0 : i32
      %dma_wait3A_73 = tpu.memref_slice %arg9[%dma_wait3A, %dma_wait3A_71, %dma_wait3A_72] : memref<2x128x128xf32, #tpu.memory_space<vmem>> -> memref<1x128x128xf32, #tpu.memory_space<vmem>>
      %dma_wait3A_74 = tpu.memref_squeeze %dma_wait3A_73 : memref<1x128x128xf32, #tpu.memory_space<vmem>> -> memref<128x128xf32, #tpu.memory_space<vmem>>
      %dma_wait3A_75 = arith.constant 0 : i32
      %dma_wait3A_76 = tpu.memref_slice %arg7[%mul3A_70, %dma_wait3A_75] : memref<40x128xi32, #tpu.memory_space<vmem>> -> memref<1x128xi32, #tpu.memory_space<vmem>>
      %dma_wait3A_77 = tpu.memref_squeeze %dma_wait3A_76 : memref<1x128xi32, #tpu.memory_space<vmem>> -> memref<128xi32, #tpu.memory_space<vmem>>
      %dma_wait3A_78 = arith.constant 0 : i32
      %dma_wait3A_79 = arith.constant 0 : i32
      %dma_wait3A_80 = tpu.memref_slice %arg2[%dma_wait3A_78, %dma_wait3A_79] : memref<10112x128xf32, #tpu.memory_space<hbm>> -> memref<10112x128xf32, #tpu.memory_space<hbm>>
      tpu.wait_indirect_dma semaphore(%arg11 : memref<!tpu.dma_semaphore, #tpu.memory_space<semaphore_mem>>) src(%dma_wait3A_80 : memref<10112x128xf32, #tpu.memory_space<hbm>>) dst(%dma_wait3A_74 : memref<128x128xf32, #tpu.memory_space<vmem>>)
      %add3A_81 = arith.addi %select_n3A_8, %mul3A_70 : i32
      %mul3A_82 = arith.constant 128 : i32
      %mul3A_83 = arith.muli %add3A_81, %mul3A_82 : i32
      %run_scoped3A = arith.constant 0 : i32
      "tpu.region"() ({
        %run_scoped3A_110 = tpu.sem_alloc : memref<!tpu.dma_semaphore, #tpu.memory_space<semaphore_mem>>
        %dma_start3A_111 = arith.constant 0 : i32
        %dma_start3A_112 = arith.constant 0 : i32
        %dma_start3A_113 = tpu.memref_slice %arg9[%run_scoped3A, %dma_start3A_111, %dma_start3A_112] : memref<2x128x128xf32, #tpu.memory_space<vmem>> -> memref<1x128x128xf32, #tpu.memory_space<vmem>>
        %dma_start3A_114 = tpu.memref_squeeze %dma_start3A_113 : memref<1x128x128xf32, #tpu.memory_space<vmem>> -> memref<128x128xf32, #tpu.memory_space<vmem>>
        %dma_start3A_115 = arith.constant 0 : i32
        %dma_start3A_116 = tpu.memref_slice %arg5[%mul3A_83, %dma_start3A_115] : memref<163840x128xf32, #tpu.memory_space<hbm>> -> memref<128x128xf32, #tpu.memory_space<hbm>>
        %dma_start3A_117 = arith.constant 0 : i32
        %dma_start3A_118 = tpu.memref_slice %arg5[%mul3A_83, %dma_start3A_117] : memref<163840x128xf32, #tpu.memory_space<hbm>> -> memref<128x128xf32, #tpu.memory_space<hbm>>
        %dma_start3A_119 = arith.constant 0 : i32
        %dma_start3A_120 = arith.constant 0 : i32
        %dma_start3A_121 = tpu.memref_slice %arg9[%run_scoped3A, %dma_start3A_119, %dma_start3A_120] : memref<2x128x128xf32, #tpu.memory_space<vmem>> -> memref<1x128x128xf32, #tpu.memory_space<vmem>>
        %dma_start3A_122 = tpu.memref_squeeze %dma_start3A_121 : memref<1x128x128xf32, #tpu.memory_space<vmem>> -> memref<128x128xf32, #tpu.memory_space<vmem>>
        tpu.enqueue_dma source(%dma_start3A_122 : memref<128x128xf32, #tpu.memory_space<vmem>>) target(%dma_start3A_118 : memref<128x128xf32, #tpu.memory_space<hbm>>) target_semaphore(%run_scoped3A_110 : memref<!tpu.dma_semaphore, #tpu.memory_space<semaphore_mem>>)
        %dma_wait3A_123 = arith.constant 0 : i32
        %dma_wait3A_124 = arith.constant 0 : i32
        %dma_wait3A_125 = tpu.memref_slice %arg9[%run_scoped3A, %dma_wait3A_123, %dma_wait3A_124] : memref<2x128x128xf32, #tpu.memory_space<vmem>> -> memref<1x128x128xf32, #tpu.memory_space<vmem>>
        %dma_wait3A_126 = tpu.memref_squeeze %dma_wait3A_125 : memref<1x128x128xf32, #tpu.memory_space<vmem>> -> memref<128x128xf32, #tpu.memory_space<vmem>>
        %dma_wait3A_127 = arith.constant 0 : i32
        %dma_wait3A_128 = tpu.memref_slice %arg5[%mul3A_83, %dma_wait3A_127] : memref<163840x128xf32, #tpu.memory_space<hbm>> -> memref<128x128xf32, #tpu.memory_space<hbm>>
        %dma_wait3A_129 = arith.constant 0 : i32
        %dma_wait3A_130 = tpu.memref_slice %arg5[%mul3A_83, %dma_wait3A_129] : memref<163840x128xf32, #tpu.memory_space<hbm>> -> memref<128x128xf32, #tpu.memory_space<hbm>>
        %dma_wait3A_131 = arith.constant 0 : i32
        %dma_wait3A_132 = arith.constant 0 : i32
        %dma_wait3A_133 = tpu.memref_slice %arg9[%run_scoped3A, %dma_wait3A_131, %dma_wait3A_132] : memref<2x128x128xf32, #tpu.memory_space<vmem>> -> memref<1x128x128xf32, #tpu.memory_space<vmem>>
        %dma_wait3A_134 = tpu.memref_squeeze %dma_wait3A_133 : memref<1x128x128xf32, #tpu.memory_space<vmem>> -> memref<128x128xf32, #tpu.memory_space<vmem>>
        tpu.wait_dma2 semaphore(%run_scoped3A_110 : memref<!tpu.dma_semaphore, #tpu.memory_space<semaphore_mem>>) src(%dma_wait3A_134 : memref<128x128xf32, #tpu.memory_space<vmem>>) dst(%dma_wait3A_130 : memref<128x128xf32, #tpu.memory_space<hbm>>)
        tpu.yield
      }) : () -> ()
      %add3A_84 = arith.constant 2 : i32
      %add3A_85 = arith.addi %mul3A_70, %add3A_84 : i32
      %lt3A = arith.cmpi slt, %add3A_85, %select_n3A : i32
      %convert_element_type3A_86 = arith.extui %lt3A : i1 to i32
      %cond3A_87 = arith.constant 0 : i32
      %cond3A_88 = arith.cmpi ne, %convert_element_type3A_86, %cond3A_87 : i32
      scf.if %cond3A_88 {
        %add3A_110 = arith.constant 2 : i32
        %add3A_111 = arith.addi %mul3A_70, %add3A_110 : i32
        %dma_start3A_112 = arith.constant 0 : i32
        %dma_start3A_113 = arith.constant 0 : i32
        %dma_start3A_114 = arith.constant 0 : i32
        %dma_start3A_115 = tpu.memref_slice %arg9[%dma_start3A_112, %dma_start3A_113, %dma_start3A_114] : memref<2x128x128xf32, #tpu.memory_space<vmem>> -> memref<1x128x128xf32, #tpu.memory_space<vmem>>
        %dma_start3A_116 = tpu.memref_squeeze %dma_start3A_115 : memref<1x128x128xf32, #tpu.memory_space<vmem>> -> memref<128x128xf32, #tpu.memory_space<vmem>>
        %dma_start3A_117 = arith.constant 0 : i32
        %dma_start3A_118 = tpu.memref_slice %arg7[%add3A_111, %dma_start3A_117] : memref<40x128xi32, #tpu.memory_space<vmem>> -> memref<1x128xi32, #tpu.memory_space<vmem>>
        %dma_start3A_119 = tpu.memref_squeeze %dma_start3A_118 : memref<1x128xi32, #tpu.memory_space<vmem>> -> memref<128xi32, #tpu.memory_space<vmem>>
        %dma_start3A_120 = arith.constant 0 : i32
        %dma_start3A_121 = arith.constant 0 : i32
        %dma_start3A_122 = tpu.memref_slice %arg2[%dma_start3A_120, %dma_start3A_121] : memref<10112x128xf32, #tpu.memory_space<hbm>> -> memref<10112x128xf32, #tpu.memory_space<hbm>>
        tpu.enqueue_indirect_dma source(%dma_start3A_122 : memref<10112x128xf32, #tpu.memory_space<hbm>>) target(%dma_start3A_116 : memref<128x128xf32, #tpu.memory_space<vmem>>) offsets(%dma_start3A_119 : memref<128xi32, #tpu.memory_space<vmem>>) semaphore(%arg11 : memref<!tpu.dma_semaphore, #tpu.memory_space<semaphore_mem>>)
      } else {
      }
      %dma_wait3A_89 = arith.constant 0 : i32
      %dma_wait3A_90 = tpu.memref_slice %arg8[%mul3A_70, %dma_wait3A_89] : memref<40x128xi32, #tpu.memory_space<vmem>> -> memref<1x128xi32, #tpu.memory_space<vmem>>
      %dma_wait3A_91 = tpu.memref_squeeze %dma_wait3A_90 : memref<1x128xi32, #tpu.memory_space<vmem>> -> memref<128xi32, #tpu.memory_space<vmem>>
      %dma_wait3A_92 = arith.constant 0 : i32
      %dma_wait3A_93 = arith.constant 0 : i32
      %dma_wait3A_94 = tpu.memref_slice %arg2[%dma_wait3A_92, %dma_wait3A_93] : memref<10112x128xf32, #tpu.memory_space<hbm>> -> memref<10112x128xf32, #tpu.memory_space<hbm>>
      tpu.wait_indirect_dma semaphore(%arg13 : memref<!tpu.dma_semaphore, #tpu.memory_space<semaphore_mem>>) src(%dma_wait3A_94 : memref<10112x128xf32, #tpu.memory_space<hbm>>) dst(%arg10 : memref<128x128xf32, #tpu.memory_space<vmem>>)
      %add3A_95 = arith.addi %select_n3A_8, %mul3A_70 : i32
      %mul3A_96 = arith.constant 128 : i32
      %mul3A_97 = arith.muli %add3A_95, %mul3A_96 : i32
      "tpu.region"() ({
        %run_scoped3A_110 = tpu.sem_alloc : memref<!tpu.dma_semaphore, #tpu.memory_space<semaphore_mem>>
        %dma_start3A_111 = arith.constant 0 : i32
        %dma_start3A_112 = tpu.memref_slice %arg6[%mul3A_97, %dma_start3A_111] : memref<163840x128xf32, #tpu.memory_space<hbm>> -> memref<128x128xf32, #tpu.memory_space<hbm>>
        %dma_start3A_113 = arith.constant 0 : i32
        %dma_start3A_114 = tpu.memref_slice %arg6[%mul3A_97, %dma_start3A_113] : memref<163840x128xf32, #tpu.memory_space<hbm>> -> memref<128x128xf32, #tpu.memory_space<hbm>>
        tpu.enqueue_dma source(%arg10 : memref<128x128xf32, #tpu.memory_space<vmem>>) target(%dma_start3A_114 : memref<128x128xf32, #tpu.memory_space<hbm>>) target_semaphore(%run_scoped3A_110 : memref<!tpu.dma_semaphore, #tpu.memory_space<semaphore_mem>>)
        %dma_wait3A_115 = arith.constant 0 : i32
        %dma_wait3A_116 = tpu.memref_slice %arg6[%mul3A_97, %dma_wait3A_115] : memref<163840x128xf32, #tpu.memory_space<hbm>> -> memref<128x128xf32, #tpu.memory_space<hbm>>
        %dma_wait3A_117 = arith.constant 0 : i32
        %dma_wait3A_118 = tpu.memref_slice %arg6[%mul3A_97, %dma_wait3A_117] : memref<163840x128xf32, #tpu.memory_space<hbm>> -> memref<128x128xf32, #tpu.memory_space<hbm>>
        tpu.wait_dma2 semaphore(%run_scoped3A_110 : memref<!tpu.dma_semaphore, #tpu.memory_space<semaphore_mem>>) src(%arg10 : memref<128x128xf32, #tpu.memory_space<vmem>>) dst(%dma_wait3A_118 : memref<128x128xf32, #tpu.memory_space<hbm>>)
        tpu.yield
      }) : () -> ()
      %add3A_98 = arith.constant 1 : i32
      %add3A_99 = arith.addi %mul3A_70, %add3A_98 : i32
      %lt3A_100 = arith.cmpi slt, %add3A_99, %select_n3A : i32
      %convert_element_type3A_101 = arith.extui %lt3A_100 : i1 to i32
      %cond3A_102 = arith.constant 0 : i32
      %cond3A_103 = arith.cmpi ne, %convert_element_type3A_101, %cond3A_102 : i32
      scf.if %cond3A_103 {
        %add3A_110 = arith.constant 1 : i32
        %add3A_111 = arith.addi %mul3A_70, %add3A_110 : i32
        %dma_start3A_112 = arith.constant 0 : i32
        %dma_start3A_113 = tpu.memref_slice %arg8[%add3A_111, %dma_start3A_112] : memref<40x128xi32, #tpu.memory_space<vmem>> -> memref<1x128xi32, #tpu.memory_space<vmem>>
        %dma_start3A_114 = tpu.memref_squeeze %dma_start3A_113 : memref<1x128xi32, #tpu.memory_space<vmem>> -> memref<128xi32, #tpu.memory_space<vmem>>
        %dma_start3A_115 = arith.constant 0 : i32
        %dma_start3A_116 = arith.constant 0 : i32
        %dma_start3A_117 = tpu.memref_slice %arg2[%dma_start3A_115, %dma_start3A_116] : memref<10112x128xf32, #tpu.memory_space<hbm>> -> memref<10112x128xf32, #tpu.memory_space<hbm>>
        tpu.enqueue_indirect_dma source(%dma_start3A_117 : memref<10112x128xf32, #tpu.memory_space<hbm>>) target(%arg10 : memref<128x128xf32, #tpu.memory_space<vmem>>) offsets(%dma_start3A_114 : memref<128xi32, #tpu.memory_space<vmem>>) semaphore(%arg13 : memref<!tpu.dma_semaphore, #tpu.memory_space<semaphore_mem>>)
      } else {
      }
      %add3A_104 = arith.constant 1 : i32
      %add3A_105 = arith.addi %mul3A_70, %add3A_104 : i32
      %lt3A_106 = arith.cmpi slt, %add3A_105, %select_n3A : i32
      %convert_element_type3A_107 = arith.extui %lt3A_106 : i1 to i32
      %cond3A_108 = arith.constant 0 : i32
      %cond3A_109 = arith.cmpi ne, %convert_element_type3A_107, %cond3A_108 : i32
      scf.if %cond3A_109 {
        %add3A_110 = arith.constant 1 : i32
        %add3A_111 = arith.addi %mul3A_70, %add3A_110 : i32
        %dma_wait3A_112 = arith.constant 1 : i32
        %dma_wait3A_113 = arith.constant 0 : i32
        %dma_wait3A_114 = arith.constant 0 : i32
        %dma_wait3A_115 = tpu.memref_slice %arg9[%dma_wait3A_112, %dma_wait3A_113, %dma_wait3A_114] : memref<2x128x128xf32, #tpu.memory_space<vmem>> -> memref<1x128x128xf32, #tpu.memory_space<vmem>>
        %dma_wait3A_116 = tpu.memref_squeeze %dma_wait3A_115 : memref<1x128x128xf32, #tpu.memory_space<vmem>> -> memref<128x128xf32, #tpu.memory_space<vmem>>
        %dma_wait3A_117 = arith.constant 0 : i32
        %dma_wait3A_118 = tpu.memref_slice %arg7[%add3A_111, %dma_wait3A_117] : memref<40x128xi32, #tpu.memory_space<vmem>> -> memref<1x128xi32, #tpu.memory_space<vmem>>
        %dma_wait3A_119 = tpu.memref_squeeze %dma_wait3A_118 : memref<1x128xi32, #tpu.memory_space<vmem>> -> memref<128xi32, #tpu.memory_space<vmem>>
        %dma_wait3A_120 = arith.constant 0 : i32
        %dma_wait3A_121 = arith.constant 0 : i32
        %dma_wait3A_122 = tpu.memref_slice %arg2[%dma_wait3A_120, %dma_wait3A_121] : memref<10112x128xf32, #tpu.memory_space<hbm>> -> memref<10112x128xf32, #tpu.memory_space<hbm>>
        tpu.wait_indirect_dma semaphore(%arg12 : memref<!tpu.dma_semaphore, #tpu.memory_space<semaphore_mem>>) src(%dma_wait3A_122 : memref<10112x128xf32, #tpu.memory_space<hbm>>) dst(%dma_wait3A_116 : memref<128x128xf32, #tpu.memory_space<vmem>>)
        %add3A_123 = arith.addi %select_n3A_8, %mul3A_70 : i32
        %add3A_124 = arith.constant 1 : i32
        %add3A_125 = arith.addi %add3A_123, %add3A_124 : i32
        %mul3A_126 = arith.constant 128 : i32
        %mul3A_127 = arith.muli %add3A_125, %mul3A_126 : i32
        %run_scoped3A_128 = arith.constant 1 : i32
        "tpu.region"() ({
          %run_scoped3A_154 = tpu.sem_alloc : memref<!tpu.dma_semaphore, #tpu.memory_space<semaphore_mem>>
          %dma_start3A_155 = arith.constant 0 : i32
          %dma_start3A_156 = arith.constant 0 : i32
          %dma_start3A_157 = tpu.memref_slice %arg9[%run_scoped3A_128, %dma_start3A_155, %dma_start3A_156] : memref<2x128x128xf32, #tpu.memory_space<vmem>> -> memref<1x128x128xf32, #tpu.memory_space<vmem>>
          %dma_start3A_158 = tpu.memref_squeeze %dma_start3A_157 : memref<1x128x128xf32, #tpu.memory_space<vmem>> -> memref<128x128xf32, #tpu.memory_space<vmem>>
          %dma_start3A_159 = arith.constant 0 : i32
          %dma_start3A_160 = tpu.memref_slice %arg5[%mul3A_127, %dma_start3A_159] : memref<163840x128xf32, #tpu.memory_space<hbm>> -> memref<128x128xf32, #tpu.memory_space<hbm>>
          %dma_start3A_161 = arith.constant 0 : i32
          %dma_start3A_162 = tpu.memref_slice %arg5[%mul3A_127, %dma_start3A_161] : memref<163840x128xf32, #tpu.memory_space<hbm>> -> memref<128x128xf32, #tpu.memory_space<hbm>>
          %dma_start3A_163 = arith.constant 0 : i32
          %dma_start3A_164 = arith.constant 0 : i32
          %dma_start3A_165 = tpu.memref_slice %arg9[%run_scoped3A_128, %dma_start3A_163, %dma_start3A_164] : memref<2x128x128xf32, #tpu.memory_space<vmem>> -> memref<1x128x128xf32, #tpu.memory_space<vmem>>
          %dma_start3A_166 = tpu.memref_squeeze %dma_start3A_165 : memref<1x128x128xf32, #tpu.memory_space<vmem>> -> memref<128x128xf32, #tpu.memory_space<vmem>>
          tpu.enqueue_dma source(%dma_start3A_166 : memref<128x128xf32, #tpu.memory_space<vmem>>) target(%dma_start3A_162 : memref<128x128xf32, #tpu.memory_space<hbm>>) target_semaphore(%run_scoped3A_154 : memref<!tpu.dma_semaphore, #tpu.memory_space<semaphore_mem>>)
          %dma_wait3A_167 = arith.constant 0 : i32
          %dma_wait3A_168 = arith.constant 0 : i32
          %dma_wait3A_169 = tpu.memref_slice %arg9[%run_scoped3A_128, %dma_wait3A_167, %dma_wait3A_168] : memref<2x128x128xf32, #tpu.memory_space<vmem>> -> memref<1x128x128xf32, #tpu.memory_space<vmem>>
          %dma_wait3A_170 = tpu.memref_squeeze %dma_wait3A_169 : memref<1x128x128xf32, #tpu.memory_space<vmem>> -> memref<128x128xf32, #tpu.memory_space<vmem>>
          %dma_wait3A_171 = arith.constant 0 : i32
          %dma_wait3A_172 = tpu.memref_slice %arg5[%mul3A_127, %dma_wait3A_171] : memref<163840x128xf32, #tpu.memory_space<hbm>> -> memref<128x128xf32, #tpu.memory_space<hbm>>
          %dma_wait3A_173 = arith.constant 0 : i32
          %dma_wait3A_174 = tpu.memref_slice %arg5[%mul3A_127, %dma_wait3A_173] : memref<163840x128xf32, #tpu.memory_space<hbm>> -> memref<128x128xf32, #tpu.memory_space<hbm>>
          %dma_wait3A_175 = arith.constant 0 : i32
          %dma_wait3A_176 = arith.constant 0 : i32
          %dma_wait3A_177 = tpu.memref_slice %arg9[%run_scoped3A_128, %dma_wait3A_175, %dma_wait3A_176] : memref<2x128x128xf32, #tpu.memory_space<vmem>> -> memref<1x128x128xf32, #tpu.memory_space<vmem>>
          %dma_wait3A_178 = tpu.memref_squeeze %dma_wait3A_177 : memref<1x128x128xf32, #tpu.memory_space<vmem>> -> memref<128x128xf32, #tpu.memory_space<vmem>>
          tpu.wait_dma2 semaphore(%run_scoped3A_154 : memref<!tpu.dma_semaphore, #tpu.memory_space<semaphore_mem>>) src(%dma_wait3A_178 : memref<128x128xf32, #tpu.memory_space<vmem>>) dst(%dma_wait3A_174 : memref<128x128xf32, #tpu.memory_space<hbm>>)
          tpu.yield
        }) : () -> ()
        %add3A_129 = arith.constant 3 : i32
        %add3A_130 = arith.addi %mul3A_70, %add3A_129 : i32
        %lt3A_131 = arith.cmpi slt, %add3A_130, %select_n3A : i32
        %convert_element_type3A_132 = arith.extui %lt3A_131 : i1 to i32
        %cond3A_133 = arith.constant 0 : i32
        %cond3A_134 = arith.cmpi ne, %convert_element_type3A_132, %cond3A_133 : i32
        scf.if %cond3A_134 {
          %add3A_154 = arith.constant 3 : i32
          %add3A_155 = arith.addi %mul3A_70, %add3A_154 : i32
          %dma_start3A_156 = arith.constant 1 : i32
          %dma_start3A_157 = arith.constant 0 : i32
          %dma_start3A_158 = arith.constant 0 : i32
          %dma_start3A_159 = tpu.memref_slice %arg9[%dma_start3A_156, %dma_start3A_157, %dma_start3A_158] : memref<2x128x128xf32, #tpu.memory_space<vmem>> -> memref<1x128x128xf32, #tpu.memory_space<vmem>>
          %dma_start3A_160 = tpu.memref_squeeze %dma_start3A_159 : memref<1x128x128xf32, #tpu.memory_space<vmem>> -> memref<128x128xf32, #tpu.memory_space<vmem>>
          %dma_start3A_161 = arith.constant 0 : i32
          %dma_start3A_162 = tpu.memref_slice %arg7[%add3A_155, %dma_start3A_161] : memref<40x128xi32, #tpu.memory_space<vmem>> -> memref<1x128xi32, #tpu.memory_space<vmem>>
          %dma_start3A_163 = tpu.memref_squeeze %dma_start3A_162 : memref<1x128xi32, #tpu.memory_space<vmem>> -> memref<128xi32, #tpu.memory_space<vmem>>
          %dma_start3A_164 = arith.constant 0 : i32
          %dma_start3A_165 = arith.constant 0 : i32
          %dma_start3A_166 = tpu.memref_slice %arg2[%dma_start3A_164, %dma_start3A_165] : memref<10112x128xf32, #tpu.memory_space<hbm>> -> memref<10112x128xf32, #tpu.memory_space<hbm>>
          tpu.enqueue_indirect_dma source(%dma_start3A_166 : memref<10112x128xf32, #tpu.memory_space<hbm>>) target(%dma_start3A_160 : memref<128x128xf32, #tpu.memory_space<vmem>>) offsets(%dma_start3A_163 : memref<128xi32, #tpu.memory_space<vmem>>) semaphore(%arg12 : memref<!tpu.dma_semaphore, #tpu.memory_space<semaphore_mem>>)
        } else {
        }
        %add3A_135 = arith.constant 1 : i32
        %add3A_136 = arith.addi %mul3A_70, %add3A_135 : i32
        %dma_wait3A_137 = arith.constant 0 : i32
        %dma_wait3A_138 = tpu.memref_slice %arg8[%add3A_136, %dma_wait3A_137] : memref<40x128xi32, #tpu.memory_space<vmem>> -> memref<1x128xi32, #tpu.memory_space<vmem>>
        %dma_wait3A_139 = tpu.memref_squeeze %dma_wait3A_138 : memref<1x128xi32, #tpu.memory_space<vmem>> -> memref<128xi32, #tpu.memory_space<vmem>>
        %dma_wait3A_140 = arith.constant 0 : i32
        %dma_wait3A_141 = arith.constant 0 : i32
        %dma_wait3A_142 = tpu.memref_slice %arg2[%dma_wait3A_140, %dma_wait3A_141] : memref<10112x128xf32, #tpu.memory_space<hbm>> -> memref<10112x128xf32, #tpu.memory_space<hbm>>
        tpu.wait_indirect_dma semaphore(%arg13 : memref<!tpu.dma_semaphore, #tpu.memory_space<semaphore_mem>>) src(%dma_wait3A_142 : memref<10112x128xf32, #tpu.memory_space<hbm>>) dst(%arg10 : memref<128x128xf32, #tpu.memory_space<vmem>>)
        %add3A_143 = arith.addi %select_n3A_8, %mul3A_70 : i32
        %add3A_144 = arith.constant 1 : i32
        %add3A_145 = arith.addi %add3A_143, %add3A_144 : i32
        %mul3A_146 = arith.constant 128 : i32
        %mul3A_147 = arith.muli %add3A_145, %mul3A_146 : i32
        "tpu.region"() ({
          %run_scoped3A_154 = tpu.sem_alloc : memref<!tpu.dma_semaphore, #tpu.memory_space<semaphore_mem>>
          %dma_start3A_155 = arith.constant 0 : i32
          %dma_start3A_156 = tpu.memref_slice %arg6[%mul3A_147, %dma_start3A_155] : memref<163840x128xf32, #tpu.memory_space<hbm>> -> memref<128x128xf32, #tpu.memory_space<hbm>>
          %dma_start3A_157 = arith.constant 0 : i32
          %dma_start3A_158 = tpu.memref_slice %arg6[%mul3A_147, %dma_start3A_157] : memref<163840x128xf32, #tpu.memory_space<hbm>> -> memref<128x128xf32, #tpu.memory_space<hbm>>
          tpu.enqueue_dma source(%arg10 : memref<128x128xf32, #tpu.memory_space<vmem>>) target(%dma_start3A_158 : memref<128x128xf32, #tpu.memory_space<hbm>>) target_semaphore(%run_scoped3A_154 : memref<!tpu.dma_semaphore, #tpu.memory_space<semaphore_mem>>)
          %dma_wait3A_159 = arith.constant 0 : i32
          %dma_wait3A_160 = tpu.memref_slice %arg6[%mul3A_147, %dma_wait3A_159] : memref<163840x128xf32, #tpu.memory_space<hbm>> -> memref<128x128xf32, #tpu.memory_space<hbm>>
          %dma_wait3A_161 = arith.constant 0 : i32
          %dma_wait3A_162 = tpu.memref_slice %arg6[%mul3A_147, %dma_wait3A_161] : memref<163840x128xf32, #tpu.memory_space<hbm>> -> memref<128x128xf32, #tpu.memory_space<hbm>>
          tpu.wait_dma2 semaphore(%run_scoped3A_154 : memref<!tpu.dma_semaphore, #tpu.memory_space<semaphore_mem>>) src(%arg10 : memref<128x128xf32, #tpu.memory_space<vmem>>) dst(%dma_wait3A_162 : memref<128x128xf32, #tpu.memory_space<hbm>>)
          tpu.yield
        }) : () -> ()
        %add3A_148 = arith.constant 2 : i32
        %add3A_149 = arith.addi %mul3A_70, %add3A_148 : i32
        %lt3A_150 = arith.cmpi slt, %add3A_149, %select_n3A : i32
        %convert_element_type3A_151 = arith.extui %lt3A_150 : i1 to i32
        %cond3A_152 = arith.constant 0 : i32
        %cond3A_153 = arith.cmpi ne, %convert_element_type3A_151, %cond3A_152 : i32
        scf.if %cond3A_153 {
          %add3A_154 = arith.constant 2 : i32
          %add3A_155 = arith.addi %mul3A_70, %add3A_154 : i32
          %dma_start3A_156 = arith.constant 0 : i32
          %dma_start3A_157 = tpu.memref_slice %arg8[%add3A_155, %dma_start3A_156] : memref<40x128xi32, #tpu.memory_space<vmem>> -> memref<1x128xi32, #tpu.memory_space<vmem>>
          %dma_start3A_158 = tpu.memref_squeeze %dma_start3A_157 : memref<1x128xi32, #tpu.memory_space<vmem>> -> memref<128xi32, #tpu.memory_space<vmem>>
          %dma_start3A_159 = arith.constant 0 : i32
          %dma_start3A_160 = arith.constant 0 : i32
          %dma_start3A_161 = tpu.memref_slice %arg2[%dma_start3A_159, %dma_start3A_160] : memref<10112x128xf32, #tpu.memory_space<hbm>> -> memref<10112x128xf32, #tpu.memory_space<hbm>>
          tpu.enqueue_indirect_dma source(%dma_start3A_161 : memref<10112x128xf32, #tpu.memory_space<hbm>>) target(%arg10 : memref<128x128xf32, #tpu.memory_space<vmem>>) offsets(%dma_start3A_158 : memref<128xi32, #tpu.memory_space<vmem>>) semaphore(%arg13 : memref<!tpu.dma_semaphore, #tpu.memory_space<semaphore_mem>>)
        } else {
        }
      } else {
      }
    }
    return
  }
}

module attributes {stable_mosaic.version = 14 : i64} {
  func.func @_node_proj_body(%arg0: memref<10000x128xf32, #tpu.memory_space<vmem>>, %arg1: memref<128x192xf32, #tpu.memory_space<vmem>>, %arg2: memref<1x192xf32, #tpu.memory_space<vmem>>, %arg3: memref<10112x128xf32, #tpu.memory_space<vmem>>) attributes {dimension_semantics = [], scalar_prefetch = 0 : i64, scratch_operands = 0 : i64, tpu.core_type = #tpu.core_type<tc>} {
    %get3A = arith.constant 0 : index
    %get3A_0 = arith.constant 0 : index
    %get3A_1 = vector.load %arg0[%get3A, %get3A_0] : memref<10000x128xf32, #tpu.memory_space<vmem>>, vector<10000x128xf32>
    %get3A_2 = arith.constant 0 : index
    %get3A_3 = arith.constant 0 : index
    %get3A_4 = vector.load %arg1[%get3A_2, %get3A_3] : memref<128x192xf32, #tpu.memory_space<vmem>>, vector<128x192xf32>
    %dot_general3A = arith.constant dense<0.000000e+00> : vector<10000x192xf32>
    %dot_general3A_5 = tpu.matmul %get3A_1, %get3A_4, %dot_general3A {dimension_numbers = #tpu.dot_dimension_numbers<[1], [0], [0], [1], [0, 0, 1, 1], [], []>, transpose_lhs_hint = false} : vector<10000x128xf32>, vector<128x192xf32>, vector<10000x192xf32> -> vector<10000x192xf32>
    %get3A_6 = arith.constant 0 : index
    %get3A_7 = arith.constant 0 : index
    %get3A_8 = vector.load %arg2[%get3A_6, %get3A_7] : memref<1x192xf32, #tpu.memory_space<vmem>>, vector<1x192xf32>
    %add3A = vector.broadcast %get3A_8 : vector<1x192xf32> to vector<10000x192xf32>
    %add3A_9 = arith.addf %dot_general3A_5, %add3A : vector<10000x192xf32>
    %slice3A = vector.extract_strided_slice %add3A_9 {offsets = [0, 0], sizes = [10000, 96], strides = [1, 1]} : vector<10000x192xf32> to vector<10000x96xf32>
    %bitcast_convert_type3A = tpu.bitcast %slice3A : vector<10000x96xf32> -> vector<10000x96xi32>
    %and3A = arith.constant -65536 : i32
    %and3A_10 = vector.broadcast %and3A : i32 to vector<10000x96xi32>
    %and3A_11 = arith.andi %bitcast_convert_type3A, %and3A_10 : vector<10000x96xi32>
    %slice3A_12 = vector.extract_strided_slice %add3A_9 {offsets = [0, 96], sizes = [10000, 96], strides = [1, 1]} : vector<10000x192xf32> to vector<10000x96xf32>
    %bitcast_convert_type3A_13 = tpu.bitcast %slice3A_12 : vector<10000x96xf32> -> vector<10000x96xi32>
    %shift_right_logical3A = arith.constant 16 : i32
    %shift_right_logical3A_14 = vector.broadcast %shift_right_logical3A : i32 to vector<10000x96xi32>
    %shift_right_logical3A_15 = arith.shrui %bitcast_convert_type3A_13, %shift_right_logical3A_14 : vector<10000x96xi32>
    %or3A = arith.ori %and3A_11, %shift_right_logical3A_15 : vector<10000x96xi32>
    %bitcast_convert_type3A_16 = tpu.bitcast %or3A : vector<10000x96xi32> -> vector<10000x96xf32>
    %broadcast_in_dim3A = arith.constant 0.000000e+00 : f32
    %broadcast_in_dim3A_17 = vector.broadcast %broadcast_in_dim3A : f32 to vector<10000x32xf32>
    %concatenate3A = tpu.concatenate %bitcast_convert_type3A_16, %broadcast_in_dim3A_17 in 1 : vector<10000x96xf32>, vector<10000x32xf32> -> vector<10000x128xf32>
    %swap3A = arith.constant 0 : index
    %swap3A_18 = arith.constant 0 : index
    %swap3A_19 = vector.load %arg3[%swap3A, %swap3A_18] : memref<10112x128xf32, #tpu.memory_space<vmem>>, vector<10000x128xf32>
    tpu.vector_store %arg3[%swap3A, %swap3A_18], %concatenate3A {strides = array<i32>} : memref<10112x128xf32, #tpu.memory_space<vmem>>, vector<10000x128xf32>,
    return
  }
}

module attributes {stable_mosaic.version = 14 : i64} {
  func.func @_edge_body(%arg0: i32, %arg1: memref<2000x128xf32, #tpu.memory_space<vmem>>, %arg2: memref<2000x128xf32, #tpu.memory_space<vmem>>, %arg3: memref<2000x16xf32, #tpu.memory_space<vmem>>, %arg4: memref<16x64xf32, #tpu.memory_space<vmem>>, %arg5: memref<192x192xf32, #tpu.memory_space<vmem>>, %arg6: memref<1x192xf32, #tpu.memory_space<vmem>>, %arg7: memref<1x192xf32, #tpu.memory_space<vmem>>, %arg8: memref<1x192xf32, #tpu.memory_space<vmem>>, %arg9: memref<192x64xf32, #tpu.memory_space<vmem>>, %arg10: memref<1x64xf32, #tpu.memory_space<vmem>>, %arg11: memref<1x64xf32, #tpu.memory_space<vmem>>, %arg12: memref<1x64xf32, #tpu.memory_space<vmem>>, %arg13: memref<2000x128xf32, #tpu.memory_space<vmem>>) attributes {dimension_semantics = [#tpu.dimension_semantics<arbitrary>], iteration_bounds = array<i64: 80>, scalar_prefetch = 0 : i64, scratch_operands = 0 : i64, tpu.core_type = #tpu.core_type<tc>, window_params = [{transform_indices = @transform_0, window_bounds = array<i64: 2000, 128>}, {transform_indices = @transform_1, window_bounds = array<i64: 2000, 128>}, {transform_indices = @transform_2, window_bounds = array<i64: 2000, 16>}, {pipeline_mode = #tpu.pipeline_mode<synchronous>, transform_indices = @transform_3, window_bounds = array<i64: 16, 64>}, {pipeline_mode = #tpu.pipeline_mode<synchronous>, transform_indices = @transform_4, window_bounds = array<i64: 192, 192>}, {pipeline_mode = #tpu.pipeline_mode<synchronous>, transform_indices = @transform_5, window_bounds = array<i64: 1, 192>}, {pipeline_mode = #tpu.pipeline_mode<synchronous>, transform_indices = @transform_6, window_bounds = array<i64: 1, 192>}, {pipeline_mode = #tpu.pipeline_mode<synchronous>, transform_indices = @transform_7, window_bounds = array<i64: 1, 192>}, {pipeline_mode = #tpu.pipeline_mode<synchronous>, transform_indices = @transform_8, window_bounds = array<i64: 192, 64>}, {pipeline_mode = #tpu.pipeline_mode<synchronous>, transform_indices = @transform_9, window_bounds = array<i64: 1, 64>}, {pipeline_mode = #tpu.pipeline_mode<synchronous>, transform_indices = @transform_10, window_bounds = array<i64: 1, 64>}, {pipeline_mode = #tpu.pipeline_mode<synchronous>, transform_indices = @transform_11, window_bounds = array<i64: 1, 64>}, {transform_indices = @transform_12, window_bounds = array<i64: 2000, 128>}]} {
    %get3A = arith.constant 0 : index
    %get3A_0 = arith.constant 0 : index
    %get3A_1 = vector.load %arg1[%get3A, %get3A_0] : memref<2000x128xf32, #tpu.memory_space<vmem>>, vector<2000x128xf32>
    %bitcast_convert_type3A = tpu.bitcast %get3A_1 : vector<2000x128xf32> -> vector<2000x128xi32>
    %and3A = arith.constant -65536 : i32
    %and3A_2 = vector.broadcast %and3A : i32 to vector<2000x128xi32>
    %and3A_3 = arith.andi %bitcast_convert_type3A, %and3A_2 : vector<2000x128xi32>
    %bitcast_convert_type3A_4 = tpu.bitcast %and3A_3 : vector<2000x128xi32> -> vector<2000x128xf32>
    %shift_left3A = arith.constant 16 : i32
    %shift_left3A_5 = vector.broadcast %shift_left3A : i32 to vector<2000x128xi32>
    %shift_left3A_6 = arith.shli %bitcast_convert_type3A, %shift_left3A_5 : vector<2000x128xi32>
    %bitcast_convert_type3A_7 = tpu.bitcast %shift_left3A_6 : vector<2000x128xi32> -> vector<2000x128xf32>
    %slice3A = vector.extract_strided_slice %bitcast_convert_type3A_4 {offsets = [0, 0], sizes = [2000, 64], strides = [1, 1]} : vector<2000x128xf32> to vector<2000x64xf32>
    %slice3A_8 = vector.extract_strided_slice %bitcast_convert_type3A_4 {offsets = [0, 64], sizes = [2000, 32], strides = [1, 1]} : vector<2000x128xf32> to vector<2000x32xf32>
    %slice3A_9 = vector.extract_strided_slice %bitcast_convert_type3A_7 {offsets = [0, 0], sizes = [2000, 32], strides = [1, 1]} : vector<2000x128xf32> to vector<2000x32xf32>
    %concatenate3A = tpu.concatenate %slice3A_8, %slice3A_9 in 1 : vector<2000x32xf32>, vector<2000x32xf32> -> vector<2000x64xf32>
    %slice3A_10 = vector.extract_strided_slice %bitcast_convert_type3A_7 {offsets = [0, 32], sizes = [2000, 64], strides = [1, 1]} : vector<2000x128xf32> to vector<2000x64xf32>
    %get3A_11 = arith.constant 0 : index
    %get3A_12 = arith.constant 0 : index
    %get3A_13 = vector.load %arg2[%get3A_11, %get3A_12] : memref<2000x128xf32, #tpu.memory_space<vmem>>, vector<2000x128xf32>
    %bitcast_convert_type3A_14 = tpu.bitcast %get3A_13 : vector<2000x128xf32> -> vector<2000x128xi32>
    %and3A_15 = arith.constant -65536 : i32
    %and3A_16 = vector.broadcast %and3A_15 : i32 to vector<2000x128xi32>
    %and3A_17 = arith.andi %bitcast_convert_type3A_14, %and3A_16 : vector<2000x128xi32>
    %bitcast_convert_type3A_18 = tpu.bitcast %and3A_17 : vector<2000x128xi32> -> vector<2000x128xf32>
    %shift_left3A_19 = arith.constant 16 : i32
    %shift_left3A_20 = vector.broadcast %shift_left3A_19 : i32 to vector<2000x128xi32>
    %shift_left3A_21 = arith.shli %bitcast_convert_type3A_14, %shift_left3A_20 : vector<2000x128xi32>
    %bitcast_convert_type3A_22 = tpu.bitcast %shift_left3A_21 : vector<2000x128xi32> -> vector<2000x128xf32>
    %slice3A_23 = vector.extract_strided_slice %bitcast_convert_type3A_18 {offsets = [0, 64], sizes = [2000, 32], strides = [1, 1]} : vector<2000x128xf32> to vector<2000x32xf32>
    %slice3A_24 = vector.extract_strided_slice %bitcast_convert_type3A_22 {offsets = [0, 0], sizes = [2000, 32], strides = [1, 1]} : vector<2000x128xf32> to vector<2000x32xf32>
    %concatenate3A_25 = tpu.concatenate %slice3A_23, %slice3A_24 in 1 : vector<2000x32xf32>, vector<2000x32xf32> -> vector<2000x64xf32>
    %slice3A_26 = vector.extract_strided_slice %bitcast_convert_type3A_22 {offsets = [0, 32], sizes = [2000, 64], strides = [1, 1]} : vector<2000x128xf32> to vector<2000x64xf32>
    %get3A_27 = arith.constant 0 : index
    %get3A_28 = arith.constant 0 : index
    %get3A_29 = vector.load %arg3[%get3A_27, %get3A_28] : memref<2000x16xf32, #tpu.memory_space<vmem>>, vector<2000x16xf32>
    %get3A_30 = arith.constant 0 : index
    %get3A_31 = arith.constant 0 : index
    %get3A_32 = vector.load %arg4[%get3A_30, %get3A_31] : memref<16x64xf32, #tpu.memory_space<vmem>>, vector<16x64xf32>
    %dot_general3A = arith.constant dense<0.000000e+00> : vector<2000x64xf32>
    %dot_general3A_33 = tpu.matmul %get3A_29, %get3A_32, %dot_general3A {dimension_numbers = #tpu.dot_dimension_numbers<[1], [0], [0], [1], [0, 0, 1, 1], [], []>, transpose_lhs_hint = false} : vector<2000x16xf32>, vector<16x64xf32>, vector<2000x64xf32> -> vector<2000x64xf32>
    %mul3A = arith.mulf %slice3A, %concatenate3A : vector<2000x64xf32>
    %mul3A_34 = arith.mulf %slice3A, %concatenate3A_25 : vector<2000x64xf32>
    %mul3A_35 = arith.mulf %slice3A, %dot_general3A_33 : vector<2000x64xf32>
    %concatenate3A_36 = tpu.concatenate %mul3A, %mul3A_34, %mul3A_35 in 1 : vector<2000x64xf32>, vector<2000x64xf32>, vector<2000x64xf32> -> vector<2000x192xf32>
    %mul3A_37 = arith.constant 0.0721687824 : f32
    %mul3A_38 = vector.broadcast %mul3A_37 : f32 to vector<2000x192xf32>
    %mul3A_39 = arith.mulf %concatenate3A_36, %mul3A_38 : vector<2000x192xf32>
    %reduce_sum3A = arith.constant dense<0.000000e+00> : vector<2000xf32>
    %reduce_sum3A_40 = vector.multi_reduction <add>, %mul3A_39, %reduce_sum3A [1] : vector<2000x192xf32> to vector<2000xf32>
    %broadcast_in_dim3A = vector.shape_cast %reduce_sum3A_40 : vector<2000xf32> to vector<2000x1xf32>
    %div3A = arith.constant 1.920000e+02 : f32
    %div3A_41 = vector.broadcast %div3A : f32 to vector<2000x1xf32>
    %div3A_42 = arith.divf %broadcast_in_dim3A, %div3A_41 : vector<2000x1xf32>
    %sub3A = vector.broadcast %div3A_42 : vector<2000x1xf32> to vector<2000x192xf32>
    %sub3A_43 = arith.subf %mul3A_39, %sub3A : vector<2000x192xf32>
    %mul3A_44 = arith.mulf %sub3A_43, %sub3A_43 : vector<2000x192xf32>
    %reduce_sum3A_45 = arith.constant dense<0.000000e+00> : vector<2000xf32>
    %reduce_sum3A_46 = vector.multi_reduction <add>, %mul3A_44, %reduce_sum3A_45 [1] : vector<2000x192xf32> to vector<2000xf32>
    %broadcast_in_dim3A_47 = vector.shape_cast %reduce_sum3A_46 : vector<2000xf32> to vector<2000x1xf32>
    %div3A_48 = arith.constant 1.920000e+02 : f32
    %div3A_49 = vector.broadcast %div3A_48 : f32 to vector<2000x1xf32>
    %div3A_50 = arith.divf %broadcast_in_dim3A_47, %div3A_49 : vector<2000x1xf32>
    %add3A = arith.constant 9.99999974E-6 : f32
    %add3A_51 = vector.broadcast %add3A : f32 to vector<2000x1xf32>
    %add3A_52 = arith.addf %div3A_50, %add3A_51 : vector<2000x1xf32>
    %rsqrt3A = math.rsqrt %add3A_52 : vector<2000x1xf32>
    %mul3A_53 = vector.broadcast %rsqrt3A : vector<2000x1xf32> to vector<2000x192xf32>
    %mul3A_54 = arith.mulf %sub3A_43, %mul3A_53 : vector<2000x192xf32>
    %get3A_55 = arith.constant 0 : index
    %get3A_56 = arith.constant 0 : index
    %get3A_57 = vector.load %arg7[%get3A_55, %get3A_56] : memref<1x192xf32, #tpu.memory_space<vmem>>, vector<1x192xf32>
    %mul3A_58 = vector.broadcast %get3A_57 : vector<1x192xf32> to vector<2000x192xf32>
    %mul3A_59 = arith.mulf %mul3A_54, %mul3A_58 : vector<2000x192xf32>
    %get3A_60 = arith.constant 0 : index
    %get3A_61 = arith.constant 0 : index
    %get3A_62 = vector.load %arg8[%get3A_60, %get3A_61] : memref<1x192xf32, #tpu.memory_space<vmem>>, vector<1x192xf32>
    %add3A_63 = vector.broadcast %get3A_62 : vector<1x192xf32> to vector<2000x192xf32>
    %add3A_64 = arith.addf %mul3A_59, %add3A_63 : vector<2000x192xf32>
    %logistic3A = arith.negf %add3A_64 : vector<2000x192xf32>
    %logistic3A_65 = math.exp %logistic3A : vector<2000x192xf32>
    %logistic3A_66 = arith.constant 1.000000e+00 : f32
    %logistic3A_67 = vector.broadcast %logistic3A_66 : f32 to vector<2000x192xf32>
    %logistic3A_68 = arith.addf %logistic3A_67, %logistic3A_65 : vector<2000x192xf32>
    %logistic3A_69 = arith.divf %logistic3A_67, %logistic3A_68 : vector<2000x192xf32>
    %get3A_70 = arith.constant 0 : index
    %get3A_71 = arith.constant 0 : index
    %get3A_72 = vector.load %arg5[%get3A_70, %get3A_71] : memref<192x192xf32, #tpu.memory_space<vmem>>, vector<192x192xf32>
    %slice3A_73 = vector.extract_strided_slice %get3A_72 {offsets = [0, 0], sizes = [64, 192], strides = [1, 1]} : vector<192x192xf32> to vector<64x192xf32>
    %dot_general3A_74 = arith.constant dense<0.000000e+00> : vector<2000x192xf32>
    %dot_general3A_75 = tpu.matmul %slice3A_10, %slice3A_73, %dot_general3A_74 {dimension_numbers = #tpu.dot_dimension_numbers<[1], [0], [0], [1], [0, 0, 1, 1], [], []>, transpose_lhs_hint = false} : vector<2000x64xf32>, vector<64x192xf32>, vector<2000x192xf32> -> vector<2000x192xf32>
    %slice3A_76 = vector.extract_strided_slice %get3A_72 {offsets = [64, 0], sizes = [64, 192], strides = [1, 1]} : vector<192x192xf32> to vector<64x192xf32>
    %dot_general3A_77 = arith.constant dense<0.000000e+00> : vector<2000x192xf32>
    %dot_general3A_78 = tpu.matmul %slice3A_26, %slice3A_76, %dot_general3A_77 {dimension_numbers = #tpu.dot_dimension_numbers<[1], [0], [0], [1], [0, 0, 1, 1], [], []>, transpose_lhs_hint = false} : vector<2000x64xf32>, vector<64x192xf32>, vector<2000x192xf32> -> vector<2000x192xf32>
    %add3A_79 = arith.addf %dot_general3A_75, %dot_general3A_78 : vector<2000x192xf32>
    %slice3A_80 = vector.extract_strided_slice %get3A_72 {offsets = [128, 0], sizes = [64, 192], strides = [1, 1]} : vector<192x192xf32> to vector<64x192xf32>
    %dot_general3A_81 = arith.constant dense<0.000000e+00> : vector<2000x192xf32>
    %dot_general3A_82 = tpu.matmul %dot_general3A_33, %slice3A_80, %dot_general3A_81 {dimension_numbers = #tpu.dot_dimension_numbers<[1], [0], [0], [1], [0, 0, 1, 1], [], []>, transpose_lhs_hint = false} : vector<2000x64xf32>, vector<64x192xf32>, vector<2000x192xf32> -> vector<2000x192xf32>
    %add3A_83 = arith.addf %add3A_79, %dot_general3A_82 : vector<2000x192xf32>
    %get3A_84 = arith.constant 0 : index
    %get3A_85 = arith.constant 0 : index
    %get3A_86 = vector.load %arg6[%get3A_84, %get3A_85] : memref<1x192xf32, #tpu.memory_space<vmem>>, vector<1x192xf32>
    %add3A_87 = vector.broadcast %get3A_86 : vector<1x192xf32> to vector<2000x192xf32>
    %add3A_88 = arith.addf %add3A_83, %add3A_87 : vector<2000x192xf32>
    %mul3A_89 = arith.mulf %add3A_88, %logistic3A_69 : vector<2000x192xf32>
    %get3A_90 = arith.constant 0 : index
    %get3A_91 = arith.constant 0 : index
    %get3A_92 = vector.load %arg9[%get3A_90, %get3A_91] : memref<192x64xf32, #tpu.memory_space<vmem>>, vector<192x64xf32>
    %dot_general3A_93 = arith.constant dense<0.000000e+00> : vector<2000x64xf32>
    %dot_general3A_94 = tpu.matmul %mul3A_89, %get3A_92, %dot_general3A_93 {dimension_numbers = #tpu.dot_dimension_numbers<[1], [0], [0], [1], [0, 0, 1, 1], [], []>, transpose_lhs_hint = false} : vector<2000x192xf32>, vector<192x64xf32>, vector<2000x64xf32> -> vector<2000x64xf32>
    %get3A_95 = arith.constant 0 : index
    %get3A_96 = arith.constant 0 : index
    %get3A_97 = vector.load %arg10[%get3A_95, %get3A_96] : memref<1x64xf32, #tpu.memory_space<vmem>>, vector<1x64xf32>
    %add3A_98 = vector.broadcast %get3A_97 : vector<1x64xf32> to vector<2000x64xf32>
    %add3A_99 = arith.addf %dot_general3A_94, %add3A_98 : vector<2000x64xf32>
    %reduce_sum3A_100 = arith.constant dense<0.000000e+00> : vector<2000xf32>
    %reduce_sum3A_101 = vector.multi_reduction <add>, %add3A_99, %reduce_sum3A_100 [1] : vector<2000x64xf32> to vector<2000xf32>
    %broadcast_in_dim3A_102 = vector.shape_cast %reduce_sum3A_101 : vector<2000xf32> to vector<2000x1xf32>
    %div3A_103 = arith.constant 6.400000e+01 : f32
    %div3A_104 = vector.broadcast %div3A_103 : f32 to vector<2000x1xf32>
    %div3A_105 = arith.divf %broadcast_in_dim3A_102, %div3A_104 : vector<2000x1xf32>
    %sub3A_106 = vector.broadcast %div3A_105 : vector<2000x1xf32> to vector<2000x64xf32>
    %sub3A_107 = arith.subf %add3A_99, %sub3A_106 : vector<2000x64xf32>
    %mul3A_108 = arith.mulf %sub3A_107, %sub3A_107 : vector<2000x64xf32>
    %reduce_sum3A_109 = arith.constant dense<0.000000e+00> : vector<2000xf32>
    %reduce_sum3A_110 = vector.multi_reduction <add>, %mul3A_108, %reduce_sum3A_109 [1] : vector<2000x64xf32> to vector<2000xf32>
    %broadcast_in_dim3A_111 = vector.shape_cast %reduce_sum3A_110 : vector<2000xf32> to vector<2000x1xf32>
    %div3A_112 = arith.constant 6.400000e+01 : f32
    %div3A_113 = vector.broadcast %div3A_112 : f32 to vector<2000x1xf32>
    %div3A_114 = arith.divf %broadcast_in_dim3A_111, %div3A_113 : vector<2000x1xf32>
    %add3A_115 = arith.constant 9.99999974E-6 : f32
    %add3A_116 = vector.broadcast %add3A_115 : f32 to vector<2000x1xf32>
    %add3A_117 = arith.addf %div3A_114, %add3A_116 : vector<2000x1xf32>
    %rsqrt3A_118 = math.rsqrt %add3A_117 : vector<2000x1xf32>
    %mul3A_119 = vector.broadcast %rsqrt3A_118 : vector<2000x1xf32> to vector<2000x64xf32>
    %mul3A_120 = arith.mulf %sub3A_107, %mul3A_119 : vector<2000x64xf32>
    %get3A_121 = arith.constant 0 : index
    %get3A_122 = arith.constant 0 : index
    %get3A_123 = vector.load %arg11[%get3A_121, %get3A_122] : memref<1x64xf32, #tpu.memory_space<vmem>>, vector<1x64xf32>
    %mul3A_124 = vector.broadcast %get3A_123 : vector<1x64xf32> to vector<2000x64xf32>
    %mul3A_125 = arith.mulf %mul3A_120, %mul3A_124 : vector<2000x64xf32>
    %get3A_126 = arith.constant 0 : index
    %get3A_127 = arith.constant 0 : index
    %get3A_128 = vector.load %arg12[%get3A_126, %get3A_127] : memref<1x64xf32, #tpu.memory_space<vmem>>, vector<1x64xf32>
    %add3A_129 = vector.broadcast %get3A_128 : vector<1x64xf32> to vector<2000x64xf32>
    %add3A_130 = arith.addf %mul3A_125, %add3A_129 : vector<2000x64xf32>
    %broadcast_in_dim3A_131 = arith.constant 0.000000e+00 : f32
    %broadcast_in_dim3A_132 = vector.broadcast %broadcast_in_dim3A_131 : f32 to vector<2000x64xf32>
    %concatenate3A_133 = tpu.concatenate %add3A_130, %broadcast_in_dim3A_132 in 1 : vector<2000x64xf32>, vector<2000x64xf32> -> vector<2000x128xf32>
    %swap3A = arith.constant 0 : index
    %swap3A_134 = arith.constant 0 : index
    %swap3A_135 = vector.load %arg13[%swap3A, %swap3A_134] : memref<2000x128xf32, #tpu.memory_space<vmem>>, vector<2000x128xf32>
    tpu.vector_store %arg13[%swap3A, %swap3A_134], %concatenate3A_133 {strides = array<i32>} : memref<2000x128xf32, #tpu.memory_space<vmem>>, vector<2000x128xf32>,
    return
  }
  func.func @transform_0(%arg0: i32) -> (i32, i32) {
    %c0_i32 = arith.constant 0 : i32
    %c0_i32_0 = arith.constant 0 : i32
    return %arg0, %c0_i32 : i32, i32
  }
  func.func @transform_1(%arg0: i32) -> (i32, i32) {
    %c0_i32 = arith.constant 0 : i32
    %c0_i32_0 = arith.constant 0 : i32
    return %arg0, %c0_i32 : i32, i32
  }
  func.func @transform_2(%arg0: i32) -> (i32, i32) {
    %c0_i32 = arith.constant 0 : i32
    %c0_i32_0 = arith.constant 0 : i32
    return %arg0, %c0_i32 : i32, i32
  }
  func.func @transform_3(%arg0: i32) -> (i32, i32) {
    %c0_i32 = arith.constant 0 : i32
    %c0_i32_0 = arith.constant 0 : i32
    %c0_i32_1 = arith.constant 0 : i32
    return %c0_i32, %c0_i32_0 : i32, i32
  }
  func.func @transform_4(%arg0: i32) -> (i32, i32) {
    %c0_i32 = arith.constant 0 : i32
    %c0_i32_0 = arith.constant 0 : i32
    %c0_i32_1 = arith.constant 0 : i32
    return %c0_i32, %c0_i32_0 : i32, i32
  }
  func.func @transform_5(%arg0: i32) -> (i32, i32) {
    %c0_i32 = arith.constant 0 : i32
    %c0_i32_0 = arith.constant 0 : i32
    %c0_i32_1 = arith.constant 0 : i32
    return %c0_i32, %c0_i32_0 : i32, i32
  }
  func.func @transform_6(%arg0: i32) -> (i32, i32) {
    %c0_i32 = arith.constant 0 : i32
    %c0_i32_0 = arith.constant 0 : i32
    %c0_i32_1 = arith.constant 0 : i32
    return %c0_i32, %c0_i32_0 : i32, i32
  }
  func.func @transform_7(%arg0: i32) -> (i32, i32) {
    %c0_i32 = arith.constant 0 : i32
    %c0_i32_0 = arith.constant 0 : i32
    %c0_i32_1 = arith.constant 0 : i32
    return %c0_i32, %c0_i32_0 : i32, i32
  }
  func.func @transform_8(%arg0: i32) -> (i32, i32) {
    %c0_i32 = arith.constant 0 : i32
    %c0_i32_0 = arith.constant 0 : i32
    %c0_i32_1 = arith.constant 0 : i32
    return %c0_i32, %c0_i32_0 : i32, i32
  }
  func.func @transform_9(%arg0: i32) -> (i32, i32) {
    %c0_i32 = arith.constant 0 : i32
    %c0_i32_0 = arith.constant 0 : i32
    %c0_i32_1 = arith.constant 0 : i32
    return %c0_i32, %c0_i32_0 : i32, i32
  }
  func.func @transform_10(%arg0: i32) -> (i32, i32) {
    %c0_i32 = arith.constant 0 : i32
    %c0_i32_0 = arith.constant 0 : i32
    %c0_i32_1 = arith.constant 0 : i32
    return %c0_i32, %c0_i32_0 : i32, i32
  }
  func.func @transform_11(%arg0: i32) -> (i32, i32) {
    %c0_i32 = arith.constant 0 : i32
    %c0_i32_0 = arith.constant 0 : i32
    %c0_i32_1 = arith.constant 0 : i32
    return %c0_i32, %c0_i32_0 : i32, i32
  }
  func.func @transform_12(%arg0: i32) -> (i32, i32) {
    %c0_i32 = arith.constant 0 : i32
    %c0_i32_0 = arith.constant 0 : i32
    return %arg0, %c0_i32 : i32, i32
  }
}

module attributes {stable_mosaic.version = 14 : i64} {
  func.func @_out_body(%arg0: memref<2x10112x128xf32, #tpu.memory_space<vmem>>, %arg1: memref<10000x128xf32, #tpu.memory_space<vmem>>, %arg2: memref<64x64xf32, #tpu.memory_space<vmem>>, %arg3: memref<1x64xf32, #tpu.memory_space<vmem>>, %arg4: memref<1x64xf32, #tpu.memory_space<vmem>>, %arg5: memref<1x64xf32, #tpu.memory_space<vmem>>, %arg6: memref<128x64xf32, #tpu.memory_space<vmem>>, %arg7: memref<1x64xf32, #tpu.memory_space<vmem>>, %arg8: memref<10000x64xf32, #tpu.memory_space<vmem>>) attributes {dimension_semantics = [], scalar_prefetch = 0 : i64, scratch_operands = 0 : i64, tpu.core_type = #tpu.core_type<tc>} {
    %get3A = arith.constant 0 : index
    %get3A_0 = arith.constant 0 : index
    %get3A_1 = arith.constant 0 : index
    %get3A_2 = vector.load %arg0[%get3A, %get3A_0, %get3A_1] : memref<2x10112x128xf32, #tpu.memory_space<vmem>>, vector<1x10000x64xf32>
    %get3A_3 = vector.shape_cast %get3A_2 : vector<1x10000x64xf32> to vector<10000x64xf32>
    %get3A_4 = arith.constant 1 : index
    %get3A_5 = arith.constant 0 : index
    %get3A_6 = arith.constant 0 : index
    %get3A_7 = vector.load %arg0[%get3A_4, %get3A_5, %get3A_6] : memref<2x10112x128xf32, #tpu.memory_space<vmem>>, vector<1x10000x64xf32>
    %get3A_8 = vector.shape_cast %get3A_7 : vector<1x10000x64xf32> to vector<10000x64xf32>
    %add3A = arith.addf %get3A_3, %get3A_8 : vector<10000x64xf32>
    %get3A_9 = arith.constant 0 : index
    %get3A_10 = arith.constant 0 : index
    %get3A_11 = vector.load %arg2[%get3A_9, %get3A_10] : memref<64x64xf32, #tpu.memory_space<vmem>>, vector<64x64xf32>
    %dot_general3A = arith.constant dense<0.000000e+00> : vector<10000x64xf32>
    %dot_general3A_12 = tpu.matmul %add3A, %get3A_11, %dot_general3A {dimension_numbers = #tpu.dot_dimension_numbers<[1], [0], [0], [1], [0, 0, 1, 1], [], []>, transpose_lhs_hint = false} : vector<10000x64xf32>, vector<64x64xf32>, vector<10000x64xf32> -> vector<10000x64xf32>
    %get3A_13 = arith.constant 0 : index
    %get3A_14 = arith.constant 0 : index
    %get3A_15 = vector.load %arg3[%get3A_13, %get3A_14] : memref<1x64xf32, #tpu.memory_space<vmem>>, vector<1x64xf32>
    %add3A_16 = vector.broadcast %get3A_15 : vector<1x64xf32> to vector<10000x64xf32>
    %add3A_17 = arith.addf %dot_general3A_12, %add3A_16 : vector<10000x64xf32>
    %reduce_sum3A = arith.constant dense<0.000000e+00> : vector<64xf32>
    %reduce_sum3A_18 = vector.multi_reduction <add>, %add3A_17, %reduce_sum3A [0] : vector<10000x64xf32> to vector<64xf32>
    %broadcast_in_dim3A = vector.shape_cast %reduce_sum3A_18 : vector<64xf32> to vector<1x64xf32>
    %div3A = arith.constant 1.000000e+04 : f32
    %div3A_19 = vector.broadcast %div3A : f32 to vector<1x64xf32>
    %div3A_20 = arith.divf %broadcast_in_dim3A, %div3A_19 : vector<1x64xf32>
    %sub3A = vector.broadcast %div3A_20 : vector<1x64xf32> to vector<10000x64xf32>
    %sub3A_21 = arith.subf %add3A_17, %sub3A : vector<10000x64xf32>
    %mul3A = arith.mulf %sub3A_21, %sub3A_21 : vector<10000x64xf32>
    %reduce_sum3A_22 = arith.constant dense<0.000000e+00> : vector<64xf32>
    %reduce_sum3A_23 = vector.multi_reduction <add>, %mul3A, %reduce_sum3A_22 [0] : vector<10000x64xf32> to vector<64xf32>
    %broadcast_in_dim3A_24 = vector.shape_cast %reduce_sum3A_23 : vector<64xf32> to vector<1x64xf32>
    %div3A_25 = arith.constant 1.000000e+04 : f32
    %div3A_26 = vector.broadcast %div3A_25 : f32 to vector<1x64xf32>
    %div3A_27 = arith.divf %broadcast_in_dim3A_24, %div3A_26 : vector<1x64xf32>
    %add3A_28 = arith.constant 9.99999974E-6 : f32
    %add3A_29 = vector.broadcast %add3A_28 : f32 to vector<1x64xf32>
    %add3A_30 = arith.addf %div3A_27, %add3A_29 : vector<1x64xf32>
    %rsqrt3A = math.rsqrt %add3A_30 : vector<1x64xf32>
    %mul3A_31 = vector.broadcast %rsqrt3A : vector<1x64xf32> to vector<10000x64xf32>
    %mul3A_32 = arith.mulf %sub3A_21, %mul3A_31 : vector<10000x64xf32>
    %get3A_33 = arith.constant 0 : index
    %get3A_34 = arith.constant 0 : index
    %get3A_35 = vector.load %arg4[%get3A_33, %get3A_34] : memref<1x64xf32, #tpu.memory_space<vmem>>, vector<1x64xf32>
    %mul3A_36 = vector.broadcast %get3A_35 : vector<1x64xf32> to vector<10000x64xf32>
    %mul3A_37 = arith.mulf %mul3A_32, %mul3A_36 : vector<10000x64xf32>
    %get3A_38 = arith.constant 0 : index
    %get3A_39 = arith.constant 0 : index
    %get3A_40 = vector.load %arg5[%get3A_38, %get3A_39] : memref<1x64xf32, #tpu.memory_space<vmem>>, vector<1x64xf32>
    %add3A_41 = vector.broadcast %get3A_40 : vector<1x64xf32> to vector<10000x64xf32>
    %add3A_42 = arith.addf %mul3A_37, %add3A_41 : vector<10000x64xf32>
    %logistic3A = arith.negf %add3A_42 : vector<10000x64xf32>
    %logistic3A_43 = math.exp %logistic3A : vector<10000x64xf32>
    %logistic3A_44 = arith.constant 1.000000e+00 : f32
    %logistic3A_45 = vector.broadcast %logistic3A_44 : f32 to vector<10000x64xf32>
    %logistic3A_46 = arith.addf %logistic3A_45, %logistic3A_43 : vector<10000x64xf32>
    %logistic3A_47 = arith.divf %logistic3A_45, %logistic3A_46 : vector<10000x64xf32>
    %mul3A_48 = arith.mulf %add3A_42, %logistic3A_47 : vector<10000x64xf32>
    %get3A_49 = arith.constant 0 : index
    %get3A_50 = arith.constant 0 : index
    %get3A_51 = vector.load %arg1[%get3A_49, %get3A_50] : memref<10000x128xf32, #tpu.memory_space<vmem>>, vector<10000x128xf32>
    %get3A_52 = arith.constant 0 : index
    %get3A_53 = arith.constant 0 : index
    %get3A_54 = vector.load %arg6[%get3A_52, %get3A_53] : memref<128x64xf32, #tpu.memory_space<vmem>>, vector<128x64xf32>
    %dot_general3A_55 = arith.constant dense<0.000000e+00> : vector<10000x64xf32>
    %dot_general3A_56 = tpu.matmul %get3A_51, %get3A_54, %dot_general3A_55 {dimension_numbers = #tpu.dot_dimension_numbers<[1], [0], [0], [1], [0, 0, 1, 1], [], []>, transpose_lhs_hint = false} : vector<10000x128xf32>, vector<128x64xf32>, vector<10000x64xf32> -> vector<10000x64xf32>
    %add3A_57 = arith.addf %mul3A_48, %dot_general3A_56 : vector<10000x64xf32>
    %get3A_58 = arith.constant 0 : index
    %get3A_59 = arith.constant 0 : index
    %get3A_60 = vector.load %arg7[%get3A_58, %get3A_59] : memref<1x64xf32, #tpu.memory_space<vmem>>, vector<1x64xf32>
    %add3A_61 = vector.broadcast %get3A_60 : vector<1x64xf32> to vector<10000x64xf32>
    %add3A_62 = arith.addf %add3A_57, %add3A_61 : vector<10000x64xf32>
    %swap3A = arith.constant 0 : index
    %swap3A_63 = arith.constant 0 : index
    %swap3A_64 = vector.load %arg8[%swap3A, %swap3A_63] : memref<10000x64xf32, #tpu.memory_space<vmem>>, vector<10000x64xf32>
    tpu.vector_store %arg8[%swap3A, %swap3A_63], %add3A_62 {strides = array<i32>} : memref<10000x64xf32, #tpu.memory_space<vmem>>, vector<10000x64xf32>,
    return
  }
}

</mosaic_0001>

<sc_bundles>
// kernel: kernel.10.cloned.1.call-start
scs
__scs_entry_jumppad:
0x0: {  	(pc) =	sbr.rel $0x88, $3  }
0x1: {  	(tag) =	ssettag $0x0;
	lr =	simm.s32 $0x1  }
0x2: {  	[smem:$0x3F89] =	sst lr;
	_ =	strace $0xD0000000  }
0x3: {  	_ = 	snop  }
0x4: {  	_ = 	snop  }
0x5: {  	_ = 	snop  }
0x6: {  	_ = 	snop  }
0x7: {  	_ = 	snop  }
__scs_overlays_trampoline_lowered:
0x8: {  	[smem:$0x3F98] =	sst s0  }
0x9: {  	[smem:$0x3F99] =	sst s1  }
0xa: {  	[smem:$0x3F9A] =	sst s2  }
0xb: {  	[smem:$0x3F9B] =	sst s3  }
0xc: {  	[smem:$0x3F9C] =	sst s4  }
0xd: {  	[smem:$0x3F9D] =	sst s5  }
0xe: {  	[smem:$0x3F9E] =	sst s6  }
0xf: {  	[smem:$0x3F9F] =	sst s7  }
0x10: {  	[smem:$0x3FA0] =	sst s8  }
0x11: {  	[smem:$0x3FA1] =	sst s9;
	s0 =	simm.s32 @!p0 $0x0  }
0x12: {  	s1 =	sld [smem:$0x3F87];
	s0 =	simm.s32 @p0 $0x1  }
0x13: {  	[smem:$0x3FA2] =	sst s0;
	s0 =	simm.s32 @!p1 $0x0  }
0x14: {  	s2 =	sld [smem:$0x3F86];
	s0 =	simm.s32 @p1 $0x1  }
0x15: {  	[smem:$0x3FA3] =	sst s0;
	s0 =	simm.s32 @!p2 $0x0  }
0x16: {  	s3 =	sld [smem:$0x3FDB];
	s0 =	simm.s32 @p2 $0x1  }
0x17: {  	s4 =	simm.s32 $0x1BF5;
	[smem:$0x3FA5] =	sst s0  }
0x18: {  	s0 =	sld [smem:$0x3F88];
	_ =	swait.ge [sflag:s4], $0x0  }
0x19: {  	s7 =	sld [smem:$0x3F89]  }
0x1a: {  	s8 =	sadd.s32 $0xFFFFE003, lr  }
0x1b: {  	s9 =	sadd.s32 $0xFFFFFEF7, lr;
	s5 =	simm.s32 $0xFFFFFFFF;
	p2 =	slt.u32 s8, $0xFFFFF086  }
0x1c: {  	p1 =	slt.u32 s9, $0xF7A;
	s5 =	simm.s32 @!p2 $0x0  }
0x1d: {  	s5 =	simm.s32 @p1 $0x1;
	p0 =	seq.s32 s7, s2  }
0x1e: {  	s7 =	smul.u32 @!p0 $0xF7A, s2;
	p2 =	seq.s32 @!p0 s5, $0x0  }
0x1f: {  	s9 =	smul.u32 $0xF7A, s1;
	s8 =	simm.s32 @!p0 $0x1BF5;
	p2 =	por !p2, p0  }
0x20: {  	[sflag:s8] =	ssyncset.s32 @!p0 $0xFFFFF086;
	s6 =	sadd.s32 @!p0 s3, s7;
	s7 =	simm.s32 @!p0 $0x108  }
0x21: {  	s3 =	sadd.s32 s3, s9;
	s6 =	sadd.s32 @!p0 $0x88, s6;
	s7 =	simm.s32 @p2 $0x1082  }
0x22: {  	[simem:s7], [sflag:s8] =	dma.local @!p0 [hbm:s6], $0xF7A  }
0x23: {  	s9 =	sor.u32 $0xD0000000, s2;
	s6 =	simm.s32 $0x108;
	_ =	swait.ge @!p0 [sflag:s8], $0x0  }
0x24: {  	s3 =	sadd.s32 $0x88, s3;
	s6 =	simm.s32 @!p1 $0x1082;
	[sflag:s4] =	ssyncset.s32 $0xFFFFF086  }
0x25: {  	[simem:s6], [sflag:s4] =	dma.local [hbm:s3], $0xF7A  }
0x26: {  	[smem:$0x3F89] =	sst s1;
	(tag) =	ssettag s2;
	_ =	strace s9  }
0x27: {  	s1 =	sld [smem:$0x3F99]  }
0x28: {  	s2 =	sld [smem:$0x3F9A]  }
0x29: {  	s4 =	sld [smem:$0x3F9C]  }
0x2a: {  	p0 =	seq.s32 s5, $0x0;
	s5 =	sld [smem:$0x3F9D]  }
0x2b: {  	s6 =	sld [smem:$0x3F9E]  }
0x2c: {  	s7 =	sld [smem:$0x3F9F]  }
0x2d: {  	s3 =	simm.s32 $0x108;
	s8 =	sld [smem:$0x3FA0]  }
0x2e: {  	s3 =	simm.s32 @!p0 $0x1082;
	s9 =	sld [smem:$0x3FA1]  }
0x2f: {  	lr =	sadd.s32 s0, s3;
	s0 =	sld [smem:$0x3F98]  }
0x30: {  	s3 =	sld [smem:$0x3F9B]  }
0x31: {  	[smem:$0x3FA4] =	sst s10  }
0x32: {  	s10 =	sld [smem:$0x3FA2];
	_ =	sdelay $0x3  }
0x33: {  	p0 =	seq.s32 s10, $0x1;
	s10 =	sld [smem:$0x3FA4];
	_ =	sdelay $0x3  }
0x34: {  	[smem:$0x3FA4] =	sst s10  }
0x35: {  	s10 =	sld [smem:$0x3FA3];
	_ =	sdelay $0x3  }
0x36: {  	p1 =	seq.s32 s10, $0x1;
	s10 =	sld [smem:$0x3FA4];
	_ =	sdelay $0x3  }
0x37: {  	[smem:$0x3FA4] =	sst s10  }
0x38: {  	s10 =	sld [smem:$0x3FA5]  }
0x39: {  	_ = 	snop;
	(pc) =	sbr.ind lr, $3  }
0x3a: {  	_ = 	snop  }
0x3b: {  	_ = 	snop  }
0x3c: {  	p2 =	seq.s32 s10, $0x1;
	s10 =	sld [smem:$0x3FA4]  }
0x3d: {  	_ =	shalt  }
0x3e: {  	_ =	shalt  }
0x3f: {  	_ =	shalt  }
0x40: {  	_ =	shalt  }
0x41: {  	_ =	shalt  }
0x42: {  	_ =	shalt  }
0x43: {  	_ =	shalt  }
0x44: {  	_ =	shalt  }
0x45: {  	_ =	shalt  }
0x46: {  	_ =	shalt  }
0x47: {  	_ =	shalt  }
0x48: {  	_ =	shalt  }
0x49: {  	_ =	shalt  }
0x4a: {  	_ =	shalt  }
0x4b: {  	_ =	shalt  }
0x4c: {  	_ =	shalt  }
0x4d: {  	_ =	shalt  }
0x4e: {  	_ =	shalt  }
0x4f: {  	_ =	shalt  }
0x50: {  	_ =	shalt  }
0x51: {  	_ =	shalt  }
0x52: {  	_ =	shalt  }
0x53: {  	_ =	shalt  }
0x54: {  	_ =	shalt  }
0x55: {  	_ =	shalt  }
0x56: {  	_ =	shalt  }
0x57: {  	_ =	shalt  }
0x58: {  	_ =	shalt  }
0x59: {  	_ =	shalt  }
0x5a: {  	_ =	shalt  }
0x5b: {  	_ =	shalt  }
0x5c: {  	_ =	shalt  }
0x5d: {  	_ =	shalt  }
0x5e: {  	_ =	shalt  }
0x5f: {  	_ =	shalt  }
0x60: {  	_ =	shalt  }
0x61: {  	_ =	shalt  }
0x62: {  	_ =	shalt  }
0x63: {  	_ =	shalt  }
0x64: {  	_ =	shalt  }
0x65: {  	_ =	shalt  }
0x66: {  	_ =	shalt  }
0x67: {  	_ =	shalt  }
0x68: {  	_ =	shalt  }
0x69: {  	_ =	shalt  }
0x6a: {  	_ =	shalt  }
0x6b: {  	_ =	shalt  }
0x6c: {  	_ =	shalt  }
0x6d: {  	_ =	shalt  }
0x6e: {  	_ =	shalt  }
0x6f: {  	_ =	shalt  }
0x70: {  	_ =	shalt  }
0x71: {  	_ =	shalt  }
0x72: {  	_ =	shalt  }
0x73: {  	_ =	shalt  }
0x74: {  	_ =	shalt  }
0x75: {  	_ =	shalt  }
0x76: {  	_ =	shalt  }
0x77: {  	_ =	shalt  }
0x78: {  	_ =	shalt  }
0x79: {  	_ =	shalt  }
0x7a: {  	_ =	shalt  }
0x7b: {  	_ =	shalt  }
0x7c: {  	_ =	shalt  }
0x7d: {  	_ =	shalt  }
0x7e: {  	_ =	shalt  }
0x7f: {  	_ =	shalt  }
0x80: {  	_ =	shalt  }
0x81: {  	_ =	shalt  }
0x82: {  	_ =	shalt  }
0x83: {  	_ =	shalt  }
0x84: {  	_ =	shalt  }
0x85: {  	_ =	shalt  }
0x86: {  	_ =	shalt  }
0x87: {  	_ =	shalt  }
.Lfunc_end0:
.L_simem_size_0:
called_computation.1_lowered:
.L_overlay_start_0:
0x88: {  	s2 =	sld [smem:$0x3FD9]  }
0x89: {  	s3 =	sld [smem:$0x3FFE];
	_ =	sdelay $0x1  }
0x8a: {  	s1 =	srdreg.scid  }
0x8b: {  	s0 =	sand.u32 $0x1, s1  }
0x8c: {  	s16 =	sshll.u32 s0, $0xA;
	s2 =	sadd.s32 s3, s2  }
0x8d: {  	s2 =	sadd.s32 s2, s16  }
0x8e: {  	[smem:$0x3FB0] =	sst s2  }
0x8f: {  	_ = 	snop  }
0x90: {  	(tm) =	ssettm $0x1  }
0x91: {  	s17 =	sld [smem:$0x3FFB];
	_ =	sdelay $0x3  }
0x92: {  	_ =	strace s17  }
0x93: {  	s2 =	sld [smem:$0x3FFC];
	_ =	sdelay $0x3  }
0x94: {  	_ =	strace s2  }
0x95: {  	s2 =	sld [smem:$0x3FFD];
	_ =	sdelay $0x3  }
0x96: {  	_ =	strace s2  }
0x97: {  	_ =	strace $0x8FFFFFFF  }
0x98: {  	s18 =	sld [smem:$0x3FDB];
	_ =	sdelay $0x1  }
0x99: {  	s19 =	simm.s32 $_scs_section_size  }
0x9a: {  	s4 =	simm.s32 $_size__tile_overlayer_lowered;
	s5 =	simm.s32 $_tile_overlayer_lowered  }
0x9b: {  	s22 =	simm.s32 $0x1BFF;
	s21 =	sshll.u32 s5, $0x1;
	s2 =	sadd.s32 s19, s18  }
0x9c: {  	s6 =	simm.s32 $0x0;
	s20 =	sshll.u32 s4, $0x1;
	s4 =	sadd.s32 s21, s2  }
0x9d: {  	[timem:s6], [sflag:s22] =	dma.local [hbm:s4], s20  }
0x9e: {  	_ =	swait.ge [sflag:s22], s20  }
0x9f: {  	s3 =	ssub.s32 $0x0, s20;
	[sflag:s22] =	ssyncset.done $0x0  }
0xa0: {  	[sflag:s22] =	ssyncadd.s32 s3;
	_ =	sdelay $0x1  }
0xa1: {  	s23 =	simm.s32 $0x1B8B  }
0xa2: {  	_ =	swait.ge [sflag:s23], $0x1  }
0xa3: {  	[sflag:s23] =	ssyncset.done $0x0  }
0xa4: {  	s25 =	simm.s32 $0x1B8E;
	s24 =	sld [smem:$0x3FFE];
	[sflag:s23] =	ssyncadd.s32 $0xFFFFFFFF  }
0xa5: {  	s26 =	simm.s32 $execute0_lowered;
	[smem:$0x3FD2] =	sst s25  }
0xa6: {  	s4 =	sshll.u32 s26, $0x1;
	_ =	strace $0x80000049;
	[dreg:$0x1] =	wrdreg $0xFFFFFFFF  }
0xa7: {  	s28 =	simm.s32 $_size_execute0_lowered;
	s2 =	sadd.s32 s2, s4;
	[dreg:$0x0] =	wrdreg $0x0  }
0xa8: {  	s4 =	sshll.u32 s28, $0x1;
	[dreg:$0x2] =	wrdreg s2  }
0xa9: {  	[dreg:$0x3] =	wrdreg s4  }
0xaa: {  	[dreg:$0x4] =	wrdreg $0xC0  }
0xab: {  	_ =	task [dreg:s6], $0x5FFFF  }
0xac: {  	[dreg:$0x1] =	wrdreg $0xFFFFFFFF  }
0xad: {  	[dreg:$0x0] =	wrdreg $0x60  }
0xae: {  	[dreg:$0x2] =	wrdreg s24  }
0xaf: {  	[dreg:$0x3] =	wrdreg $0x94000  }
0xb0: {  	[dreg:$0x4] =	wrdreg $0x9  }
0xb1: {  	_ =	task.clear_ibuf [dreg:s6], $0x5FFFF;
	_ =	strace $0x90000049  }
0xb2: {  	s29 =	simm.s32 $0x9;
	_ =	strace $0x8000004B  }
0xb3: {  	_ =	swait.ge [sflag:s29], $0x1  }
0xb4: {  	[sflag:s29] =	ssyncadd.s32 $0xFFFFFFFF  }
0xb5: {  	_ =	strace $0x9000004B  }
0xb6: {  	_ =	sfence  }
0xb7: {  	s30 =	sld [smem:$0x0];
	_ =	sdelay $0x2  }
0xb8: {  	s31 =	sshll.u32 s1, $0xD;
	s1 =	sshrl.u32 s1, $0x2  }
0xb9: {  	s3 =	sand.u32 $0x4000, s31;
	s1 =	sadd.s32 s1, s30  }
0xba: {  	s0 =	sor.u32 s3, s0;
	s1 =	sshll.u32 s1, $0x11  }
0xbb: {  	s0 =	sor.u32 s1, s0  }
0xbc: {  	s0 =	sadd.s32 $0x8F2B, s0  }
0xbd: {  	[sflag:s0] =	ssyncadd.remote.s32 $0x1  }
0xbe: {  	_ =	sfence.sel $0xFFFF  }
0xbf: {  	[dreg:$0x0] =	wrdreg $0xFFFFFFFF;
	(pc) =	sbr.abs _section_cstart, $3  }
0xc0: {  	[dreg:$0x1] =	wrdreg $0xFFFFFFFF  }
0xc1: {  	_ =	task.clear_ibuf [dreg:s6], $0x2FFFF;
	_ =	strace $0x9FFFFFFF  }
0xc2: {  	(tm) =	ssettm $0x7FFFFFFF  }
0xc3: {  	_ =	shalt  }
tec
execute0_lowered:
.L_overlay_start_1:
0x0: {  	(tag) =	ssettag $0x1  }
0x1: {  	s1 =	srdreg.scid;
	s4 =	rddreg [dreg:$0x0]  }
0x2: {  	s0 =	stileid.u32;
	s2 =	rddreg [dreg:$0x1];
	s3 =	simm.s32 $0x0  }
0x3: {  	s15 =	simm.s32 $0x1;
	s16 =	simm.s32 $0x80;
	s17 =	simm.s32 $0x2  }
0x4: {  	s18 =	simm.s32 $0x9300;
	s19 =	simm.s32 $0x9380;
	s20 =	smul.u32 $0x2780, s0  }
0x5: {  	s5 =	sand.u32 $0x1, s1;
	s1 =	rddreg [dreg:$0x2];
	s9 =	smul.u32 $0x4F000, s0  }
0x6: {  	s25 =	sshll.u32 s0, $0x1;
	[smem:$0x7FF] =	sst s3;
	s13 =	smul.u32 $0x50, s0  }
0x7: {  	s10 =	sadd.s32 $0x7A1C00, s4;
	s29 =	sshll.u32 s0, $0x6;
	s8 =	smul.u32 $0x27800, s5  }
0x8: {  	s6 =	sor.u32 s5, s25;
	_ =	strace $0x8000004A;
	s28 =	smul.u32 $0x28, s5  }
0x9: {  	s26 =	ssub.s32 $0x2, s5;
	s5 =	sor.u32 $0x1C03, s29;
	s7 =	smul.u32 $0x280, s6  }
0xa: {  	s11 =	sadd.s32 s20, s4;
	s12 =	sshrl.u32 s26, $0x1;
	s9 =	sshrl.u32 s9, $0x2  }
0xb: {  	s30 =	smul.u32 $0x14000, s6;
	s8 =	sadd.s32 s8, s4;
	s12 =	ssub.s32 s26, s12  }
0xc: {  	s14 =	sadd.s32 s9, s2;
	s9 =	sadd.s32 s28, s13;
	s13 =	simm.s32 $0x3  }
0xd: {  	s7 =	sadd.s32 s7, s4;
	s4 =	sadd.s32 $0x9400, s11;
	s21 =	sadd.s32 $0x30C00, s8  }
0xe: {  	s31 =	sshll.u32 s9, $0xB;
	s8 =	smax.u32 s12, $0x1;
	s12 =	sshrl.u32 s14, $0x3  }
0xf: {  	s14 =	simm.s32 $0x4000;
	s6 =	sadd.s32 $0x4400, s7;
	s7 =	sadd.s32 s10, s30  }
0x10: {  	s11 =	sadd.s32 s31, s10;
	s20 =	sadd.s32 s20, s21;
	s21 =	simm.s32 $0x0  }
0x11: {  	s9 =	sadd.s32 $0x13800, s7;
	s10 =	sadd.s32 $0x1000, s11;
	s11 =	sadd.s32 $0x800, s11  }
.LBB2_1:
0x12: {  	[spmem:s12], [sflag:s5] =	dma.local [hbm:s4], $0x2780  }
0x13: {  	_ =	swait.ge [sflag:s13], $0x2780  }
0x14: {  	[sflag:s13] =	ssyncset.done $0x0  }
0x15: {  	[sflag:s13] =	ssyncadd.s32 $0xFFFFD880  }
0x16: {  	s22 =	simm.s32 $0x8000;
	[bflag:$0x0] =	sbarrier.arrive $0xFFFF  }
0x17: {  	[tilespmem:s22], [sflag:$0x3] =	stream.linear.gather [hbm4b:s6+s3], $0x1400, $0x38;
	[tilespmem:$0x1D000] =	vst v63  }
0x18: {  	_ =	swait.ge [sflag:s13], $0x1400  }
0x19: {  	[sflag:s13] =	ssyncset.done $0x0  }
0x1a: {  	[sflag:s13] =	ssyncadd.s32 $0xFFFFEC00  }
0x1b: {  	[tilespmem:s3], [sflag:$0x1] =	stream.linear.gather [hbm4b:s7+s3], $0x4000, $0x38;
	[tilespmem:$0x1D000] =	vst v63  }
0x1c: {  	s23 =	sadd.s32 $0x0, s11  }
0x1d: {  	[tilespmem:s14], [sflag:$0x2] =	stream.linear.gather [hbm4b:s23+s3], $0x4000, $0x38;
	[tilespmem:$0x1D000] =	vst v63  }
0x1e: {  	_ =	swait.ge [sflag:s15], $0x4000  }
0x1f: {  	[sflag:s15] =	ssyncset.done $0x0  }
0x20: {  	[sflag:s15] =	ssyncadd.s32 $0xFFFFC000  }
0x21: {  	[spmem:s2] =	stream.indirect.scatter.add.f32 [tilespmem:s3], [sflag:$0x3], $0x80, s22, s16, $0xb8;
	[tilespmem:$0x1D000] =	vst v63  }
0x22: {  	_ =	swait.ge [sflag:s13], $0x4000  }
0x23: {  	[sflag:s13] =	ssyncset.done $0x0  }
0x24: {  	s30 =	sadd.s32 $0x0, s10;
	[sflag:s13] =	ssyncadd.s32 $0xFFFFC000  }
0x25: {  	[tilespmem:s3], [sflag:$0x1] =	stream.linear.gather [hbm4b:s30+s3], $0x4000, $0x38;
	[tilespmem:$0x1D000] =	vst v63  }
0x26: {  	_ =	swait.ge [sflag:s17], $0x4000  }
0x27: {  	[sflag:s17] =	ssyncset.done $0x0  }
0x28: {  	s31 =	simm.s32 $0x8080;
	[sflag:s17] =	ssyncadd.s32 $0xFFFFC000  }
0x29: {  	[spmem:s2] =	stream.indirect.scatter.add.f32 [tilespmem:s14], [sflag:$0x3], $0x80, s31, s16, $0xb8;
	[tilespmem:$0x1D000] =	vst v63  }
0x2a: {  	s24 =	simm.s32 $0x2000;
	_ =	swait.ge [sflag:s13], $0x4000  }
0x2b: {  	s23 =	simm.s32 $0x1000;
	s22 =	simm.s32 $0x8100;
	[sflag:s13] =	ssyncset.done $0x0  }
.LBB2_2:
0x2c: {  	s25 =	sadd.s32 s23, s11  }
0x2d: {  	[sflag:s13] =	ssyncadd.s32 $0xFFFFC000;
	s26 =	smov.u32 s24;
	s28 =	sadd.s32 $0x1000, s24  }
0x2e: {  	[tilespmem:s14], [sflag:$0x2] =	stream.linear.gather [hbm4b:s25+s3], $0x4000, $0x38;
	[tilespmem:$0x1D000] =	vst v63  }
0x2f: {  	p0 =	sne.s32 s24, $0x12000;
	_ =	swait.ge [sflag:s15], $0x4000  }
0x30: {  	[sflag:s15] =	ssyncset.done $0x0  }
0x31: {  	[sflag:s15] =	ssyncadd.s32 $0xFFFFC000  }
0x32: {  	[spmem:s2] =	stream.indirect.scatter.add.f32 [tilespmem:s3], [sflag:$0x3], $0x80, s22, s16, $0xb8;
	[tilespmem:$0x1D000] =	vst v63  }
0x33: {  	_ =	swait.ge [sflag:s13], $0x4000  }
0x34: {  	[sflag:s13] =	ssyncset.done $0x0  }
0x35: {  	s24 =	sadd.s32 s23, s10;
	s23 =	smov.u32 s26;
	[sflag:s13] =	ssyncadd.s32 $0xFFFFC000  }
0x36: {  	[tilespmem:s3], [sflag:$0x1] =	stream.linear.gather [hbm4b:s24+s3], $0x4000, $0x38;
	[tilespmem:$0x1D000] =	vst v63  }
0x37: {  	_ =	swait.ge [sflag:s17], $0x4000  }
.Ltmp0:
0x38: {  	[sflag:s17] =	ssyncset.done $0x0;
	(pc) =	sbr.rel @p0 .LBB2_2-.Ltmp0, $4  }
0x39: {  	s24 =	sadd.s32 $0x80, s22;
	[sflag:s17] =	ssyncadd.s32 $0xFFFFC000  }
0x3a: {  	[spmem:s2] =	stream.indirect.scatter.add.f32 [tilespmem:s14], [sflag:$0x3], $0x80, s24, s16, $0xb8;
	[tilespmem:$0x1D000] =	vst v63  }
0x3b: {  	_ =	swait.ge [sflag:s13], $0x4000  }
0x3c: {  	s22 =	sadd.s32 $0x100, s22;
	s24 =	smov.u32 s28;
	[sflag:s13] =	ssyncset.done $0x0  }
0x3d: {  	s24 =	sadd.s32 s23, s11;
	[sflag:s13] =	ssyncadd.s32 $0xFFFFC000  }
0x3e: {  	[tilespmem:s14], [sflag:$0x2] =	stream.linear.gather [hbm4b:s24+s3], $0x4000, $0x38;
	[tilespmem:$0x1D000] =	vst v63  }
0x3f: {  	_ =	swait.ge [sflag:s15], $0x4000  }
0x40: {  	[sflag:s15] =	ssyncset.done $0x0  }
0x41: {  	[sflag:s15] =	ssyncadd.s32 $0xFFFFC000  }
0x42: {  	[spmem:s2] =	stream.indirect.scatter.add.f32 [tilespmem:s3], [sflag:$0x3], $0x80, s22, s16, $0xb8;
	[tilespmem:$0x1D000] =	vst v63  }
0x43: {  	_ =	swait.ge [sflag:s13], $0x4000  }
0x44: {  	[sflag:s13] =	ssyncset.done $0x0  }
0x45: {  	s30 =	sadd.s32 s23, s10;
	[sflag:s13] =	ssyncadd.s32 $0xFFFFC000  }
0x46: {  	[tilespmem:s3], [sflag:$0x1] =	stream.linear.gather [hbm4b:s30+s3], $0x4000, $0x38;
	[tilespmem:$0x1D000] =	vst v63  }
0x47: {  	_ =	swait.ge [sflag:s17], $0x4000  }
0x48: {  	[sflag:s17] =	ssyncset.done $0x0  }
0x49: {  	s31 =	sadd.s32 $0x80, s22;
	[sflag:s17] =	ssyncadd.s32 $0xFFFFC000  }
0x4a: {  	[spmem:s2] =	stream.indirect.scatter.add.f32 [tilespmem:s14], [sflag:$0x3], $0x80, s31, s16, $0xb8;
	[tilespmem:$0x1D000] =	vst v63  }
0x4b: {  	_ =	swait.ge [sflag:s13], $0x4000  }
0x4c: {  	[sflag:s13] =	ssyncset.done $0x0  }
0x4d: {  	[sflag:s13] =	ssyncadd.s32 $0xFFFFC000  }
0x4e: {  	[tilespmem:s14], [sflag:$0x2] =	stream.linear.gather [hbm4b:s9+s3], $0x4000, $0x38;
	[tilespmem:$0x1D000] =	vst v63  }
0x4f: {  	_ =	swait.ge [sflag:s15], $0x4000  }
0x50: {  	[sflag:s15] =	ssyncset.done $0x0  }
0x51: {  	[sflag:s15] =	ssyncadd.s32 $0xFFFFC000  }
0x52: {  	[spmem:s2] =	stream.indirect.scatter.add.f32 [tilespmem:s3], [sflag:$0x3], $0x80, s18, s16, $0xb8;
	[tilespmem:$0x1D000] =	vst v63  }
0x53: {  	_ =	swait.ge [sflag:s13], $0x4000  }
0x54: {  	[sflag:s13] =	ssyncset.done $0x0  }
0x55: {  	[sflag:s13] =	ssyncadd.s32 $0xFFFFC000  }
0x56: {  	_ =	swait.ge [sflag:s17], $0x4000  }
0x57: {  	[sflag:s17] =	ssyncset.done $0x0  }
0x58: {  	[sflag:s17] =	ssyncadd.s32 $0xFFFFC000  }
0x59: {  	[spmem:s2] =	stream.indirect.scatter.add.f32 [tilespmem:s14], [sflag:$0x3], $0x80, s19, s16, $0xb8;
	[tilespmem:$0x1D000] =	vst v63  }
0x5a: {  	_ =	swait.ge [sflag:s13], $0x4000  }
0x5b: {  	s21 =	sadd.s32 $0x1, s21;
	[sflag:s13] =	ssyncset.done $0x0  }
0x5c: {  	p0 =	sne.s32 s21, s8;
	[sflag:s13] =	ssyncadd.s32 $0xFFFFC000  }
.Ltmp1:
0x5d: {  	[bflag:$0x0] =	sbarrier.arrive $0xFFFF;
	(pc) =	sbr.rel @p0 .LBB2_1-.Ltmp1, $4  }
0x5e: {  	[hbm:s20], [sflag:s5] =	dma.local [spmem:s12], $0x2780  }
0x5f: {  	_ =	swait.ge [sflag:s13], $0x2780  }
0x60: {  	[sflag:s13] =	ssyncset.done $0x0  }
0x61: {  	[sflag:s13] =	ssyncadd.s32 $0xFFFFD880  }
0x62: {  	_ =	sfence.sel $0x180000  }
0x63: {  	[bflag:$0x0] =	sbarrier.arrive $0xFFFF  }
0x64: {  	p0 =	sne.s32 s0, $0x0;
	_ =	strace $0x9000004A  }
0x65: {  	s0 =	sadd.s32 @!p0 $0x100000, s1;
	[bflag:$0x2] =	sbarrier.arrive $0xFFFF  }
0x66: {  	[sflag:s0] =	ssyncadd.tile.s32 @!p0 $0x1;
	_ =	shalt  }
.Lfunc_end2:
_tile_overlayer_lowered:
.L_overlay_start_2:
0x67: {  	(tag) =	ssettag $0x2  }
0x68: {  	s0 =	rddreg [dreg:$0x0];
	s2 =	stileid.u32  }
0x69: {  	s1 =	rddreg [dreg:$0x1];
	p0 =	sne.s32 s2, $0x0  }
0x6a: {  	s3 =	rddreg [dreg:$0x2];
	[bflag:$0x3] =	sbarrier.arrive $0xFFFF;
	s2 =	simm.s32 @!p0 $0x1C03  }
0x6b: {  	[timem:s3], [sflag:s2] =	dma.local @!p0 [hbm:s0], s1  }
0x6c: {  	s0 =	simm.s32 @!p0 $0x3  }
0x6d: {  	_ =	swait.ge @!p0 [sflag:s0], s1  }
0x6e: {  	s1 =	ssub.s32 @!p0 $0x0, s1;
	[sflag:s0] =	ssyncset.done @!p0 $0x0  }
0x6f: {  	[sflag:s0] =	ssyncadd.s32 @!p0 s1  }
0x70: {  	[bflag:$0x3] =	sbarrier.arrive $0xFFFF  }
0x71: {  	_ =	shalt  }

// kernel: kernel.7.cloned.1.call-start
scs
__scs_entry_jumppad:
0x0: {  	(pc) =	sbr.rel $0x88, $3  }
0x1: {  	(tag) =	ssettag $0x0;
	lr =	simm.s32 $0x1  }
0x2: {  	[smem:$0x3F89] =	sst lr;
	_ =	strace $0xD0000000  }
0x3: {  	_ = 	snop  }
0x4: {  	_ = 	snop  }
0x5: {  	_ = 	snop  }
0x6: {  	_ = 	snop  }
0x7: {  	_ = 	snop  }
__scs_overlays_trampoline_lowered:
0x8: {  	[smem:$0x3F98] =	sst s0  }
0x9: {  	[smem:$0x3F99] =	sst s1  }
0xa: {  	[smem:$0x3F9A] =	sst s2  }
0xb: {  	[smem:$0x3F9B] =	sst s3  }
0xc: {  	[smem:$0x3F9C] =	sst s4  }
0xd: {  	[smem:$0x3F9D] =	sst s5  }
0xe: {  	[smem:$0x3F9E] =	sst s6  }
0xf: {  	[smem:$0x3F9F] =	sst s7  }
0x10: {  	[smem:$0x3FA0] =	sst s8  }
0x11: {  	[smem:$0x3FA1] =	sst s9;
	s0 =	simm.s32 @!p0 $0x0  }
0x12: {  	s1 =	sld [smem:$0x3F87];
	s0 =	simm.s32 @p0 $0x1  }
0x13: {  	[smem:$0x3FA2] =	sst s0;
	s0 =	simm.s32 @!p1 $0x0  }
0x14: {  	s2 =	sld [smem:$0x3F86];
	s0 =	simm.s32 @p1 $0x1  }
0x15: {  	[smem:$0x3FA3] =	sst s0;
	s0 =	simm.s32 @!p2 $0x0  }
0x16: {  	s3 =	sld [smem:$0x3FDB];
	s0 =	simm.s32 @p2 $0x1  }
0x17: {  	s4 =	simm.s32 $0x1BF5;
	[smem:$0x3FA5] =	sst s0  }
0x18: {  	s0 =	sld [smem:$0x3F88];
	_ =	swait.ge [sflag:s4], $0x0  }
0x19: {  	s7 =	sld [smem:$0x3F89]  }
0x1a: {  	s8 =	sadd.s32 $0xFFFFE003, lr  }
0x1b: {  	s9 =	sadd.s32 $0xFFFFFEF7, lr;
	s5 =	simm.s32 $0xFFFFFFFF;
	p2 =	slt.u32 s8, $0xFFFFF086  }
0x1c: {  	p1 =	slt.u32 s9, $0xF7A;
	s5 =	simm.s32 @!p2 $0x0  }
0x1d: {  	s5 =	simm.s32 @p1 $0x1;
	p0 =	seq.s32 s7, s2  }
0x1e: {  	s7 =	smul.u32 @!p0 $0xF7A, s2;
	p2 =	seq.s32 @!p0 s5, $0x0  }
0x1f: {  	s9 =	smul.u32 $0xF7A, s1;
	s8 =	simm.s32 @!p0 $0x1BF5;
	p2 =	por !p2, p0  }
0x20: {  	[sflag:s8] =	ssyncset.s32 @!p0 $0xFFFFF086;
	s6 =	sadd.s32 @!p0 s3, s7;
	s7 =	simm.s32 @!p0 $0x108  }
0x21: {  	s3 =	sadd.s32 s3, s9;
	s6 =	sadd.s32 @!p0 $0x88, s6;
	s7 =	simm.s32 @p2 $0x1082  }
0x22: {  	[simem:s7], [sflag:s8] =	dma.local @!p0 [hbm:s6], $0xF7A  }
0x23: {  	s9 =	sor.u32 $0xD0000000, s2;
	s6 =	simm.s32 $0x108;
	_ =	swait.ge @!p0 [sflag:s8], $0x0  }
0x24: {  	s3 =	sadd.s32 $0x88, s3;
	s6 =	simm.s32 @!p1 $0x1082;
	[sflag:s4] =	ssyncset.s32 $0xFFFFF086  }
0x25: {  	[simem:s6], [sflag:s4] =	dma.local [hbm:s3], $0xF7A  }
0x26: {  	[smem:$0x3F89] =	sst s1;
	(tag) =	ssettag s2;
	_ =	strace s9  }
0x27: {  	s1 =	sld [smem:$0x3F99]  }
0x28: {  	s2 =	sld [smem:$0x3F9A]  }
0x29: {  	s4 =	sld [smem:$0x3F9C]  }
0x2a: {  	p0 =	seq.s32 s5, $0x0;
	s5 =	sld [smem:$0x3F9D]  }
0x2b: {  	s6 =	sld [smem:$0x3F9E]  }
0x2c: {  	s7 =	sld [smem:$0x3F9F]  }
0x2d: {  	s3 =	simm.s32 $0x108;
	s8 =	sld [smem:$0x3FA0]  }
0x2e: {  	s3 =	simm.s32 @!p0 $0x1082;
	s9 =	sld [smem:$0x3FA1]  }
0x2f: {  	lr =	sadd.s32 s0, s3;
	s0 =	sld [smem:$0x3F98]  }
0x30: {  	s3 =	sld [smem:$0x3F9B]  }
0x31: {  	[smem:$0x3FA4] =	sst s10  }
0x32: {  	s10 =	sld [smem:$0x3FA2];
	_ =	sdelay $0x3  }
0x33: {  	p0 =	seq.s32 s10, $0x1;
	s10 =	sld [smem:$0x3FA4];
	_ =	sdelay $0x3  }
0x34: {  	[smem:$0x3FA4] =	sst s10  }
0x35: {  	s10 =	sld [smem:$0x3FA3];
	_ =	sdelay $0x3  }
0x36: {  	p1 =	seq.s32 s10, $0x1;
	s10 =	sld [smem:$0x3FA4];
	_ =	sdelay $0x3  }
0x37: {  	[smem:$0x3FA4] =	sst s10  }
0x38: {  	s10 =	sld [smem:$0x3FA5]  }
0x39: {  	_ = 	snop;
	(pc) =	sbr.ind lr, $3  }
0x3a: {  	_ = 	snop  }
0x3b: {  	_ = 	snop  }
0x3c: {  	p2 =	seq.s32 s10, $0x1;
	s10 =	sld [smem:$0x3FA4]  }
0x3d: {  	_ =	shalt  }
0x3e: {  	_ =	shalt  }
0x3f: {  	_ =	shalt  }
0x40: {  	_ =	shalt  }
0x41: {  	_ =	shalt  }
0x42: {  	_ =	shalt  }
0x43: {  	_ =	shalt  }
0x44: {  	_ =	shalt  }
0x45: {  	_ =	shalt  }
0x46: {  	_ =	shalt  }
0x47: {  	_ =	shalt  }
0x48: {  	_ =	shalt  }
0x49: {  	_ =	shalt  }
0x4a: {  	_ =	shalt  }
0x4b: {  	_ =	shalt  }
0x4c: {  	_ =	shalt  }
0x4d: {  	_ =	shalt  }
0x4e: {  	_ =	shalt  }
0x4f: {  	_ =	shalt  }
0x50: {  	_ =	shalt  }
0x51: {  	_ =	shalt  }
0x52: {  	_ =	shalt  }
0x53: {  	_ =	shalt  }
0x54: {  	_ =	shalt  }
0x55: {  	_ =	shalt  }
0x56: {  	_ =	shalt  }
0x57: {  	_ =	shalt  }
0x58: {  	_ =	shalt  }
0x59: {  	_ =	shalt  }
0x5a: {  	_ =	shalt  }
0x5b: {  	_ =	shalt  }
0x5c: {  	_ =	shalt  }
0x5d: {  	_ =	shalt  }
0x5e: {  	_ =	shalt  }
0x5f: {  	_ =	shalt  }
0x60: {  	_ =	shalt  }
0x61: {  	_ =	shalt  }
0x62: {  	_ =	shalt  }
0x63: {  	_ =	shalt  }
0x64: {  	_ =	shalt  }
0x65: {  	_ =	shalt  }
0x66: {  	_ =	shalt  }
0x67: {  	_ =	shalt  }
0x68: {  	_ =	shalt  }
0x69: {  	_ =	shalt  }
0x6a: {  	_ =	shalt  }
0x6b: {  	_ =	shalt  }
0x6c: {  	_ =	shalt  }
0x6d: {  	_ =	shalt  }
0x6e: {  	_ =	shalt  }
0x6f: {  	_ =	shalt  }
0x70: {  	_ =	shalt  }
0x71: {  	_ =	shalt  }
0x72: {  	_ =	shalt  }
0x73: {  	_ =	shalt  }
0x74: {  	_ =	shalt  }
0x75: {  	_ =	shalt  }
0x76: {  	_ =	shalt  }
0x77: {  	_ =	shalt  }
0x78: {  	_ =	shalt  }
0x79: {  	_ =	shalt  }
0x7a: {  	_ =	shalt  }
0x7b: {  	_ =	shalt  }
0x7c: {  	_ =	shalt  }
0x7d: {  	_ =	shalt  }
0x7e: {  	_ =	shalt  }
0x7f: {  	_ =	shalt  }
0x80: {  	_ =	shalt  }
0x81: {  	_ =	shalt  }
0x82: {  	_ =	shalt  }
0x83: {  	_ =	shalt  }
0x84: {  	_ =	shalt  }
0x85: {  	_ =	shalt  }
0x86: {  	_ =	shalt  }
0x87: {  	_ =	shalt  }
.Lfunc_end0:
.L_simem_size_0:
called_computation_lowered:
.L_overlay_start_0:
0x88: {  	s2 =	sld [smem:$0x3FD9]  }
0x89: {  	s3 =	sld [smem:$0x3FFE];
	_ =	sdelay $0x1  }
0x8a: {  	s1 =	srdreg.scid  }
0x8b: {  	s0 =	sand.u32 $0x1, s1  }
0x8c: {  	s17 =	sshll.u32 s0, $0xA;
	s2 =	sadd.s32 s3, s2  }
0x8d: {  	s2 =	sadd.s32 s2, s17  }
0x8e: {  	[smem:$0x3FB0] =	sst s2  }
0x8f: {  	_ = 	snop  }
0x90: {  	s2 =	sld [smem:$0x3FD0];
	(tm) =	ssettm $0x1  }
0x91: {  	s18 =	sld [smem:$0x3FFB];
	_ =	sdelay $0x3  }
0x92: {  	_ =	strace s18  }
0x93: {  	s3 =	sld [smem:$0x3FFC];
	_ =	sdelay $0x3  }
0x94: {  	_ =	strace s3  }
0x95: {  	s3 =	sld [smem:$0x3FFD];
	_ =	sdelay $0x3  }
0x96: {  	_ =	strace s3  }
0x97: {  	_ =	strace $0x8FFFFFFF  }
0x98: {  	s19 =	sld [smem:$0x3FDB];
	_ =	sdelay $0x1  }
0x99: {  	s4 =	simm.s32 $_scs_section_size  }
0x9a: {  	s5 =	simm.s32 $_size__tile_overlayer_lowered;
	s6 =	simm.s32 $_tile_overlayer_lowered  }
0x9b: {  	s22 =	simm.s32 $0x1BFF;
	s21 =	sshll.u32 s6, $0x1;
	s3 =	sadd.s32 s4, s19  }
0x9c: {  	s7 =	simm.s32 $0x0;
	s20 =	sshll.u32 s5, $0x1;
	s5 =	sadd.s32 s21, s3  }
0x9d: {  	[timem:s7], [sflag:s22] =	dma.local [hbm:s5], s20  }
0x9e: {  	_ =	swait.ge [sflag:s22], s20  }
0x9f: {  	s4 =	ssub.s32 $0x0, s20;
	[sflag:s22] =	ssyncset.done $0x0  }
0xa0: {  	[sflag:s22] =	ssyncadd.s32 s4;
	_ =	sdelay $0x1  }
0xa1: {  	s23 =	simm.s32 $0x1B8B  }
0xa2: {  	_ =	swait.ge [sflag:s23], $0x1  }
0xa3: {  	[sflag:s23] =	ssyncset.done $0x0  }
0xa4: {  	s25 =	simm.s32 $0x1B8E;
	s24 =	sld [smem:$0x3FFE];
	[sflag:s23] =	ssyncadd.s32 $0xFFFFFFFF  }
0xa5: {  	s26 =	simm.s32 $execute0_lowered;
	[smem:$0x3FD2] =	sst s25  }
0xa6: {  	s5 =	sshll.u32 s26, $0x1;
	_ =	strace $0x80000046;
	[dreg:$0x1] =	wrdreg $0xFFFFFFFF  }
0xa7: {  	s28 =	simm.s32 $_size_execute0_lowered;
	s3 =	sadd.s32 s3, s5;
	[dreg:$0x0] =	wrdreg $0x0  }
0xa8: {  	s5 =	sshll.u32 s28, $0x1;
	[dreg:$0x2] =	wrdreg s3  }
0xa9: {  	[dreg:$0x3] =	wrdreg s5  }
0xaa: {  	[dreg:$0x4] =	wrdreg $0xC0  }
0xab: {  	_ =	task [dreg:s7], $0x5FFFF  }
0xac: {  	[dreg:$0x1] =	wrdreg $0xFFFFFFFF  }
0xad: {  	[dreg:$0x0] =	wrdreg $0x60  }
0xae: {  	[dreg:$0x2] =	wrdreg s24  }
0xaf: {  	[dreg:$0x3] =	wrdreg s2  }
0xb0: {  	[dreg:$0x4] =	wrdreg $0x9  }
0xb1: {  	_ =	task.clear_ibuf [dreg:s7], $0x5FFFF;
	_ =	strace $0x90000046  }
0xb2: {  	s29 =	simm.s32 $0x9;
	_ =	strace $0x80000048  }
0xb3: {  	_ =	swait.ge [sflag:s29], $0x1  }
0xb4: {  	[sflag:s29] =	ssyncadd.s32 $0xFFFFFFFF  }
0xb5: {  	_ =	strace $0x90000048  }
0xb6: {  	_ =	sfence  }
0xb7: {  	s30 =	sld [smem:$0x0];
	_ =	sdelay $0x2  }
0xb8: {  	s31 =	sshll.u32 s1, $0xD;
	s1 =	sshrl.u32 s1, $0x2  }
0xb9: {  	s3 =	sand.u32 $0x4000, s31;
	s1 =	sadd.s32 s1, s30  }
0xba: {  	s0 =	sor.u32 s3, s0;
	s1 =	sshll.u32 s1, $0x11  }
0xbb: {  	s0 =	sor.u32 s1, s0  }
0xbc: {  	s0 =	sadd.s32 $0x8F2B, s0  }
0xbd: {  	[sflag:s0] =	ssyncadd.remote.s32 $0x1  }
0xbe: {  	_ =	sfence.sel $0xFFFF  }
0xbf: {  	[dreg:$0x0] =	wrdreg $0xFFFFFFFF;
	(pc) =	sbr.abs _section_cstart, $3  }
0xc0: {  	[dreg:$0x1] =	wrdreg $0xFFFFFFFF  }
0xc1: {  	_ =	task.clear_ibuf [dreg:s7], $0x2FFFF;
	_ =	strace $0x9FFFFFFF  }
0xc2: {  	(tm) =	ssettm $0x7FFFFFFF  }
0xc3: {  	_ =	shalt  }
tec
execute0_lowered:
.L_overlay_start_1:
0x0: {  	(tag) =	ssettag $0x1  }
0x1: {  	s4 =	rddreg [dreg:$0x0]  }
0x2: {  	s0 =	stileid.u32;
	s10 =	rddreg [dreg:$0x1]  }
0x3: {  	s1 =	rddreg [dreg:$0x2];
	s2 =	simm.s32 $0x0;
	s3 =	srdreg.scid  }
0x4: {  	s15 =	simm.s32 $0x80;
	s16 =	simm.s32 $0x2800;
	s17 =	simm.s32 $0x6800  }
0x5: {  	s18 =	simm.s32 $0xA800;
	s19 =	simm.s32 $0x1;
	s20 =	simm.s32 $0x3  }
0x6: {  	s21 =	simm.s32 $0x2;
	s22 =	simm.s32 $0x2780;
	s5 =	smul.u32 $0x28, s0  }
0x7: {  	s23 =	simm.s32 $0x0;
	s6 =	sand.u32 $0x1, s3;
	s3 =	smul.u32 $0x280, s0  }
0x8: {  	[smem:$0x7FF] =	sst s2;
	s12 =	sadd.s32 $0x30C00, s4;
	s13 =	sadd.s32 $0x2B0C00, s4  }
0x9: {  	p0 =	seq.s32 s6, $0x0;
	s6 =	ssub.s32 $0x2, s6;
	s7 =	sadd.s32 $0x280, s5  }
0xa: {  	_ =	strace $0x80000047;
	s8 =	sshrl.u32 s6, $0x1;
	s11 =	sshll.u32 s7, $0x4  }
0xb: {  	s7 =	smov.u32 @p0 s5;
	s28 =	ssub.s32 s6, s8;
	s11 =	smov.u32 @p0 s3  }
0xc: {  	s3 =	sadd.s32 $0x9400, s4;
	s14 =	sshll.u32 s7, $0xB;
	s9 =	sadd.s32 s11, s4  }
0xd: {  	s4 =	smax.u32 s28, $0x1;
	s29 =	sadd.s32 $0x13000, s14;
	s30 =	sadd.s32 $0x13800, s14  }
0xe: {  	s10 =	sadd.s32 s10, s11;
	s31 =	sadd.s32 s14, s13;
	s5 =	sadd.s32 s12, s29  }
0xf: {  	s6 =	sadd.s32 s13, s29;
	s7 =	sadd.s32 s12, s30;
	s8 =	sadd.s32 s13, s30  }
0x10: {  	s9 =	sadd.s32 $0x4400, s9;
	s12 =	sadd.s32 s14, s12;
	s13 =	simm.s32 $0x4  }
0x11: {  	s14 =	simm.s32 $0x1400;
	s11 =	sadd.s32 $0x800, s12;
	s12 =	sadd.s32 $0x800, s31  }
.LBB2_1:
0x12: {  	[tilespmem:s2], [sflag:$0x4] =	stream.linear.gather [hbm4b:s9+s2], $0x1400, $0x38;
	[tilespmem:$0xE800] =	vst v63  }
0x13: {  	_ =	swait.ge [sflag:s13], $0x1400  }
0x14: {  	[sflag:s13] =	ssyncset.done $0x0  }
0x15: {  	[sflag:s13] =	ssyncadd.s32 $0xFFFFEC00  }
0x16: {  	[tilespmem:s14], [sflag:$0x4] =	stream.linear.gather [hbm4b:s10+s2], $0x1400, $0x38;
	[tilespmem:$0xE800] =	vst v63  }
0x17: {  	_ =	swait.ge [sflag:s13], $0x1400  }
0x18: {  	[sflag:s13] =	ssyncset.done $0x0  }
0x19: {  	[sflag:s13] =	ssyncadd.s32 $0xFFFFEC00  }
0x1a: {  	[tilespmem:s16], [sflag:$0x1] =	stream.indirect.gather [hbm4b:s3+s15], $0x80, s2, s15, $0xb8;
	[tilespmem:$0xE800] =	vst v63  }
0x1b: {  	_ = 	snop  }
0x1c: {  	[tilespmem:s17], [sflag:$0x2] =	stream.indirect.gather [hbm4b:s3+s15], $0x80, s15, s15, $0xb8;
	[tilespmem:$0xE800] =	vst v63  }
0x1d: {  	_ = 	snop  }
0x1e: {  	[tilespmem:s18], [sflag:$0x3] =	stream.indirect.gather [hbm4b:s3+s15], $0x80, s14, s15, $0xb8;
	[tilespmem:$0xE800] =	vst v63  }
0x1f: {  	_ =	swait.ge [sflag:s19], $0x4000  }
0x20: {  	[sflag:s19] =	ssyncset.done $0x0  }
0x21: {  	s24 =	sadd.s32 $0xFFFFF800, s11;
	[sflag:s19] =	ssyncadd.s32 $0xFFFFC000  }
0x22: {  	[hbm4b:s24+s2] =	stream.linear.scatter [tilespmem:s16], [sflag:$0x4], $0x4000, $0x38;
	[tilespmem:$0xE800] =	vst v63  }
0x23: {  	_ =	swait.ge [sflag:s13], $0x4000  }
0x24: {  	[sflag:s13] =	ssyncset.done $0x0  }
0x25: {  	s26 =	simm.s32 $0x100;
	[sflag:s13] =	ssyncadd.s32 $0xFFFFC000  }
0x26: {  	[tilespmem:s16], [sflag:$0x1] =	stream.indirect.gather [hbm4b:s3+s15], $0x80, s26, s15, $0xb8;
	[tilespmem:$0xE800] =	vst v63  }
0x27: {  	_ =	swait.ge [sflag:s20], $0x4000  }
0x28: {  	[sflag:s20] =	ssyncset.done $0x0  }
0x29: {  	s29 =	sadd.s32 $0xFFFFF800, s12;
	[sflag:s20] =	ssyncadd.s32 $0xFFFFC000  }
0x2a: {  	[hbm4b:s29+s2] =	stream.linear.scatter [tilespmem:s18], [sflag:$0x4], $0x4000, $0x38;
	[tilespmem:$0xE800] =	vst v63  }
0x2b: {  	_ =	swait.ge [sflag:s13], $0x4000  }
0x2c: {  	[sflag:s13] =	ssyncset.done $0x0  }
0x2d: {  	s30 =	simm.s32 $0x1480;
	[sflag:s13] =	ssyncadd.s32 $0xFFFFC000  }
0x2e: {  	[tilespmem:s18], [sflag:$0x3] =	stream.indirect.gather [hbm4b:s3+s15], $0x80, s30, s15, $0xb8;
	[tilespmem:$0xE800] =	vst v63  }
0x2f: {  	_ =	swait.ge [sflag:s21], $0x4000  }
0x30: {  	[sflag:s21] =	ssyncset.done $0x0  }
0x31: {  	[sflag:s21] =	ssyncadd.s32 $0xFFFFC000  }
0x32: {  	[hbm4b:s11+s2] =	stream.linear.scatter [tilespmem:s17], [sflag:$0x4], $0x4000, $0x38;
	[tilespmem:$0xE800] =	vst v63  }
0x33: {  	_ =	swait.ge [sflag:s13], $0x4000  }
0x34: {  	[sflag:s13] =	ssyncset.done $0x0  }
0x35: {  	s31 =	simm.s32 $0x180;
	[sflag:s13] =	ssyncadd.s32 $0xFFFFC000  }
0x36: {  	[tilespmem:s17], [sflag:$0x2] =	stream.indirect.gather [hbm4b:s3+s15], $0x80, s31, s15, $0xb8;
	[tilespmem:$0xE800] =	vst v63  }
0x37: {  	_ =	swait.ge [sflag:s20], $0x4000  }
0x38: {  	[sflag:s20] =	ssyncset.done $0x0  }
0x39: {  	[sflag:s20] =	ssyncadd.s32 $0xFFFFC000  }
0x3a: {  	[hbm4b:s12+s2] =	stream.linear.scatter [tilespmem:s18], [sflag:$0x4], $0x4000, $0x38;
	[tilespmem:$0xE800] =	vst v63  }
0x3b: {  	_ =	swait.ge [sflag:s13], $0x4000  }
0x3c: {  	s25 =	sadd.s32 $0x1000, s12;
	s28 =	simm.s32 $0x1500;
	[sflag:s13] =	ssyncset.done $0x0  }
0x3d: {  	s24 =	simm.s32 $0x400;
	s26 =	sadd.s32 $0x1000, s11;
	[sflag:s13] =	ssyncadd.s32 $0xFFFFC000  }
.LBB2_2:
0x3e: {  	[tilespmem:s18], [sflag:$0x3] =	stream.indirect.gather [hbm4b:s3+s15], $0x80, s28, s15, $0xb8;
	[tilespmem:$0xE800] =	vst v63  }
0x3f: {  	s28 =	smov.u32 s24  }
0x40: {  	p0 =	sne.s32 s24, $0x4800;
	s24 =	sadd.s32 $0x400, s24;
	_ =	swait.ge [sflag:s19], $0x4000  }
0x41: {  	[sflag:s19] =	ssyncset.done $0x0  }
0x42: {  	s29 =	sadd.s32 $0xFFFFF800, s26;
	[sflag:s19] =	ssyncadd.s32 $0xFFFFC000  }
0x43: {  	[hbm4b:s29+s2] =	stream.linear.scatter [tilespmem:s16], [sflag:$0x4], $0x4000, $0x38;
	[tilespmem:$0xE800] =	vst v63  }
0x44: {  	_ =	swait.ge [sflag:s13], $0x4000  }
0x45: {  	s28 =	sshra.s32 s28, $0x2;
	[sflag:s13] =	ssyncset.done $0x0  }
0x46: {  	s29 =	sadd.s32 $0x100, s28;
	[sflag:s13] =	ssyncadd.s32 $0xFFFFC000  }
0x47: {  	[tilespmem:s16], [sflag:$0x1] =	stream.indirect.gather [hbm4b:s3+s15], $0x80, s29, s15, $0xb8;
	[tilespmem:$0xE800] =	vst v63  }
0x48: {  	_ =	swait.ge [sflag:s20], $0x4000  }
0x49: {  	[sflag:s20] =	ssyncset.done $0x0  }
0x4a: {  	s29 =	sadd.s32 $0xFFFFF800, s25;
	[sflag:s20] =	ssyncadd.s32 $0xFFFFC000  }
0x4b: {  	[hbm4b:s29+s2] =	stream.linear.scatter [tilespmem:s18], [sflag:$0x4], $0x4000, $0x38;
	[tilespmem:$0xE800] =	vst v63  }
0x4c: {  	_ =	swait.ge [sflag:s13], $0x4000  }
0x4d: {  	[sflag:s13] =	ssyncset.done $0x0  }
0x4e: {  	s29 =	sadd.s32 $0x1480, s28;
	[sflag:s13] =	ssyncadd.s32 $0xFFFFC000  }
0x4f: {  	[tilespmem:s18], [sflag:$0x3] =	stream.indirect.gather [hbm4b:s3+s15], $0x80, s29, s15, $0xb8;
	[tilespmem:$0xE800] =	vst v63  }
0x50: {  	_ =	swait.ge [sflag:s21], $0x4000  }
0x51: {  	[sflag:s21] =	ssyncset.done $0x0  }
0x52: {  	[sflag:s21] =	ssyncadd.s32 $0xFFFFC000  }
0x53: {  	[hbm4b:s26+s2] =	stream.linear.scatter [tilespmem:s17], [sflag:$0x4], $0x4000, $0x38;
	[tilespmem:$0xE800] =	vst v63  }
0x54: {  	_ =	swait.ge [sflag:s13], $0x4000  }
0x55: {  	[sflag:s13] =	ssyncset.done $0x0  }
0x56: {  	s29 =	sadd.s32 $0x180, s28;
	[sflag:s13] =	ssyncadd.s32 $0xFFFFC000  }
0x57: {  	[tilespmem:s17], [sflag:$0x2] =	stream.indirect.gather [hbm4b:s3+s15], $0x80, s29, s15, $0xb8;
	[tilespmem:$0xE800] =	vst v63  }
0x58: {  	_ =	swait.ge [sflag:s20], $0x4000  }
0x59: {  	[sflag:s20] =	ssyncset.done $0x0  }
.Ltmp0:
0x5a: {  	[sflag:s20] =	ssyncadd.s32 $0xFFFFC000;
	(pc) =	sbr.rel @p0 .LBB2_2-.Ltmp0, $4  }
0x5b: {  	[hbm4b:s25+s2] =	stream.linear.scatter [tilespmem:s18], [sflag:$0x4], $0x4000, $0x38;
	[tilespmem:$0xE800] =	vst v63  }
0x5c: {  	_ =	swait.ge [sflag:s13], $0x4000  }
0x5d: {  	s25 =	sadd.s32 $0x1000, s25;
	[sflag:s13] =	ssyncset.done $0x0  }
0x5e: {  	s28 =	sadd.s32 $0x1500, s28;
	s26 =	sadd.s32 $0x1000, s26;
	[sflag:s13] =	ssyncadd.s32 $0xFFFFC000  }
0x5f: {  	[tilespmem:s18], [sflag:$0x3] =	stream.indirect.gather [hbm4b:s3+s15], $0x80, s28, s15, $0xb8;
	[tilespmem:$0xE800] =	vst v63  }
0x60: {  	_ =	swait.ge [sflag:s19], $0x4000  }
0x61: {  	[sflag:s19] =	ssyncset.done $0x0  }
0x62: {  	[sflag:s19] =	ssyncadd.s32 $0xFFFFC000  }
0x63: {  	[hbm4b:s5+s2] =	stream.linear.scatter [tilespmem:s16], [sflag:$0x4], $0x4000, $0x38;
	[tilespmem:$0xE800] =	vst v63  }
0x64: {  	_ =	swait.ge [sflag:s13], $0x4000  }
0x65: {  	[sflag:s13] =	ssyncset.done $0x0  }
0x66: {  	[sflag:s13] =	ssyncadd.s32 $0xFFFFC000  }
0x67: {  	_ =	swait.ge [sflag:s20], $0x4000  }
0x68: {  	[sflag:s20] =	ssyncset.done $0x0  }
0x69: {  	[sflag:s20] =	ssyncadd.s32 $0xFFFFC000  }
0x6a: {  	[hbm4b:s6+s2] =	stream.linear.scatter [tilespmem:s18], [sflag:$0x4], $0x4000, $0x38;
	[tilespmem:$0xE800] =	vst v63  }
0x6b: {  	_ =	swait.ge [sflag:s13], $0x4000  }
0x6c: {  	[sflag:s13] =	ssyncset.done $0x0  }
0x6d: {  	[sflag:s13] =	ssyncadd.s32 $0xFFFFC000  }
0x6e: {  	[tilespmem:s18], [sflag:$0x3] =	stream.indirect.gather [hbm4b:s3+s15], $0x80, s22, s15, $0xb8;
	[tilespmem:$0xE800] =	vst v63  }
0x6f: {  	_ =	swait.ge [sflag:s21], $0x4000  }
0x70: {  	[sflag:s21] =	ssyncset.done $0x0  }
0x71: {  	[sflag:s21] =	ssyncadd.s32 $0xFFFFC000  }
0x72: {  	[hbm4b:s7+s2] =	stream.linear.scatter [tilespmem:s17], [sflag:$0x4], $0x4000, $0x38;
	[tilespmem:$0xE800] =	vst v63  }
0x73: {  	_ =	swait.ge [sflag:s13], $0x4000  }
0x74: {  	[sflag:s13] =	ssyncset.done $0x0  }
0x75: {  	[sflag:s13] =	ssyncadd.s32 $0xFFFFC000  }
0x76: {  	s23 =	sadd.s32 $0x1, s23;
	_ =	swait.ge [sflag:s20], $0x4000  }
0x77: {  	p0 =	sne.s32 s23, s4;
	[sflag:s20] =	ssyncset.done $0x0  }
.Ltmp1:
0x78: {  	[sflag:s20] =	ssyncadd.s32 $0xFFFFC000;
	(pc) =	sbr.rel @p0 .LBB2_1-.Ltmp1, $4  }
0x79: {  	[hbm4b:s8+s2] =	stream.linear.scatter [tilespmem:s18], [sflag:$0x4], $0x4000, $0x38;
	[tilespmem:$0xE800] =	vst v63  }
0x7a: {  	_ =	swait.ge [sflag:s13], $0x4000  }
0x7b: {  	[sflag:s13] =	ssyncset.done $0x0  }
0x7c: {  	[sflag:s13] =	ssyncadd.s32 $0xFFFFC000  }
0x7d: {  	_ =	sfence.sel $0x180000  }
0x7e: {  	[bflag:$0x0] =	sbarrier.arrive $0xFFFF  }
0x7f: {  	p0 =	sne.s32 s0, $0x0;
	_ =	strace $0x90000047  }
0x80: {  	s0 =	sadd.s32 @!p0 $0x100000, s1;
	[bflag:$0x2] =	sbarrier.arrive $0xFFFF  }
0x81: {  	[sflag:s0] =	ssyncadd.tile.s32 @!p0 $0x1;
	_ =	shalt  }
.Lfunc_end2:
_tile_overlayer_lowered:
.L_overlay_start_2:
0x82: {  	(tag) =	ssettag $0x2  }
0x83: {  	s0 =	rddreg [dreg:$0x0];
	s2 =	stileid.u32  }
0x84: {  	s1 =	rddreg [dreg:$0x1];
	p0 =	sne.s32 s2, $0x0  }
0x85: {  	s3 =	rddreg [dreg:$0x2];
	[bflag:$0x3] =	sbarrier.arrive $0xFFFF;
	s2 =	simm.s32 @!p0 $0x1C04  }
0x86: {  	[timem:s3], [sflag:s2] =	dma.local @!p0 [hbm:s0], s1  }
0x87: {  	s0 =	simm.s32 @!p0 $0x4  }
0x88: {  	_ =	swait.ge @!p0 [sflag:s0], s1  }
0x89: {  	s1 =	ssub.s32 @!p0 $0x0, s1;
	[sflag:s0] =	ssyncset.done @!p0 $0x0  }
0x8a: {  	[sflag:s0] =	ssyncadd.s32 @!p0 s1  }
0x8b: {  	[bflag:$0x3] =	sbarrier.arrive $0xFFFF  }
0x8c: {  	_ =	shalt  }

</sc_bundles>
